<compile_context>
chip_gen: v7x
topology: tpu7x:2x2x1
jax: 0.10.2.dev20260603
libtpu: 0.0.44.dev20260713+nightly
codegen_flags: <defaults>
</compile_context>

<pallas_src>
import functools

import jax
import jax.numpy as jnp
from jax import lax
from jax.experimental import pallas as pl
from jax.experimental.pallas import tpu as pltpu
from jax.experimental.pallas import tpu_sc as plsc

N = 10000
NPAD = 10240
E = 320000
D = 128
HD = D // 2
DELTA = 5.27 / 2.0

NC = 2
NS = 16
NW = NC * NS
HCHUNK = 80
HEPT = E // NW
HNCHUNK = HEPT // HCHUNK

CHUNK = 80
EPT = E // NS
NCHUNK = EPT // CHUNK
ROWS_PT = NPAD // NS
HR = NPAD // D


def _mesh():
    return plsc.VectorSubcoreMesh(
        core_axis_name="c", subcore_axis_name="s", num_cores=NC, num_subcores=NS)


def _hist_body(dst_hbm, hist_hbm, dst_v, hist_v, idx_v, hist_sh):
    c = lax.axis_index("c")
    s = lax.axis_index("s")
    wid = c * NS + s
    pltpu.sync_copy(dst_hbm.at[wid], dst_v)

    zeros16 = jnp.zeros((16,), jnp.float32)

    def zrow(r, carry):
        for i in range(D // 16):
            hist_v[r, pl.ds(i * 16, 16)] = zeros16
        return carry

    lax.fori_loop(0, HR, zrow, 0)
    for i in range(HR // 16):
        idx_v[0, pl.ds(i * 16, 16)] = lax.iota(jnp.int32, 16) + (i * 16)

    @pl.when(s == 0)
    def _():
        pltpu.sync_copy(hist_v, hist_sh)

    plsc.subcore_barrier()

    ones16 = jnp.ones((16,), jnp.float32)

    def hrow(r, carry):
        for i in range(HCHUNK // 16):
            idx = dst_v[r, pl.ds(i * 16, 16)]
            row = lax.shift_right_logical(idx, 7)
            col = lax.bitwise_and(idx, 127)
            plsc.addupdate_scatter(hist_v, [row, col], ones16)
        return carry

    lax.fori_loop(0, HNCHUNK, hrow, 0)

    pltpu.sync_copy(hist_v, hist_sh.at[idx_v.at[0]], add=True)
    plsc.subcore_barrier()

    @pl.when(s < HR // 8)
    def _():
        pltpu.sync_copy(hist_sh.at[pl.ds(s * 8, 8)], hist_hbm.at[c, pl.ds(s * 8, 8)])


@functools.cache
def _hist_kernel():
    return pl.kernel(
        _hist_body,
        out_type=jax.ShapeDtypeStruct((NC, HR, D), jnp.float32),
        mesh=_mesh(),
        compiler_params=pltpu.CompilerParams(needs_layout_passes=False),
        scratch_types=[
            pltpu.VMEM((HNCHUNK, HCHUNK), jnp.int32),
            pltpu.VMEM((HR, D), jnp.float32),
            pltpu.VMEM((1, HR), jnp.int32),
            pltpu.VMEM_SHARED((HR, D), jnp.float32),
        ],
    )


def _hist_call(dst_r):
    return _hist_kernel()(dst_r)


def _prop_body(xs_hbm, src_hbm, dst_hbm, zer_hbm, out_hbm,
               src_v, dst_v, bufs, gsems, ssems, acc):
    c = lax.axis_index("c")
    s = lax.axis_index("s")
    pltpu.sync_copy(src_hbm.at[s], src_v)
    pltpu.sync_copy(dst_hbm.at[s], dst_v)
    pltpu.sync_copy(zer_hbm.at[pl.ds(s * ROWS_PT, ROWS_PT)],
                    acc.at[pl.ds(s * ROWS_PT, ROWS_PT)])
    plsc.subcore_barrier()

    xs_c = xs_hbm.at[c]

    pltpu.async_copy(xs_c.at[src_v.at[0]], bufs[0], gsems[0])

    def step2(p, carry):
        j = p * 2
        pltpu.make_async_copy(xs_c.at[src_v.at[j]], bufs[0], gsems[0]).wait()
        pltpu.async_copy(xs_c.at[src_v.at[j + 1]], bufs[1], gsems[1])
        pltpu.sync_copy(bufs[0], acc.at[dst_v.at[j]], add=True)
        pltpu.make_async_copy(xs_c.at[src_v.at[j + 1]], bufs[1], gsems[1]).wait()

        @pl.when(j + 2 < NCHUNK)
        def _():
            pltpu.async_copy(xs_c.at[src_v.at[j + 2]], bufs[0], gsems[0])

        pltpu.sync_copy(bufs[1], acc.at[dst_v.at[j + 1]], add=True)
        return carry

    lax.fori_loop(0, NCHUNK // 2, step2, 0)

    plsc.subcore_barrier()
    pltpu.sync_copy(acc.at[pl.ds(s * ROWS_PT, ROWS_PT)],
                    out_hbm.at[c, pl.ds(s * ROWS_PT, ROWS_PT)])


@functools.cache
def _prop_kernel():
    return pl.kernel(
        _prop_body,
        out_type=jax.ShapeDtypeStruct((NC, NPAD, HD), jnp.float32),
        mesh=_mesh(),
        compiler_params=pltpu.CompilerParams(
            needs_layout_passes=False, use_tc_tiling_on_sc=False),
        scratch_types=[
            pltpu.VMEM((NCHUNK, CHUNK), jnp.int32),
            pltpu.VMEM((NCHUNK, CHUNK), jnp.int32),
            [pltpu.VMEM((CHUNK, HD), jnp.float32) for _ in range(2)],
            [pltpu.SemaphoreType.DMA for _ in range(2)],
            [pltpu.SemaphoreType.DMA for _ in range(2)],
            pltpu.VMEM_SHARED((NPAD, HD), jnp.float32),
        ],
    )


def _prop_call(xs2, src_r, dst_r, zer):
    return _prop_kernel()(xs2, src_r, dst_r, zer)


RBLK = 1024
NB = NPAD // RBLK


def _scale_body(h0_ref, h1_ref, x_ref, dinv_ref, xs_ref):
    deg = h0_ref[...] + h1_ref[...] + 1.0
    dinv = lax.rsqrt(deg)
    dinv_ref[...] = dinv
    xsv = x_ref[...] * dinv
    xs_ref[0] = xsv[:, :HD]
    xs_ref[1] = xsv[:, HD:]


def _scale_call(h0, h1, xp):
    return pl.pallas_call(
        _scale_body,
        grid=(NB,),
        in_specs=[
            pl.BlockSpec((RBLK, 1), lambda i: (i, 0)),
            pl.BlockSpec((RBLK, 1), lambda i: (i, 0)),
            pl.BlockSpec((RBLK, D), lambda i: (i, 0)),
        ],
        out_specs=[
            pl.BlockSpec((RBLK, 1), lambda i: (i, 0)),
            pl.BlockSpec((NC, RBLK, HD), lambda i: (0, i, 0)),
        ],
        out_shape=[
            jax.ShapeDtypeStruct((NPAD, 1), jnp.float32),
            jax.ShapeDtypeStruct((NC, NPAD, HD), jnp.float32),
        ],
    )(h0, h1, xp)


def _combine_body(x_ref, xs_ref, o_ref, dinv_ref, xn_ref, xsn_ref):
    dinv = dinv_ref[...]
    xs_full = jnp.concatenate([xs_ref[0], xs_ref[1]], axis=1)
    o_full = jnp.concatenate([o_ref[0], o_ref[1]], axis=1)
    out = dinv * (o_full + xs_full)
    xn = (1.0 - DELTA) * x_ref[...] + DELTA * out
    xn_ref[...] = xn
    xsn = dinv * xn
    xsn_ref[0] = xsn[:, :HD]
    xsn_ref[1] = xsn[:, HD:]


def _combine_call(xp, xs2, o, dinv):
    return pl.pallas_call(
        _combine_body,
        grid=(NB,),
        in_specs=[
            pl.BlockSpec((RBLK, D), lambda i: (i, 0)),
            pl.BlockSpec((NC, RBLK, HD), lambda i: (0, i, 0)),
            pl.BlockSpec((NC, RBLK, HD), lambda i: (0, i, 0)),
            pl.BlockSpec((RBLK, 1), lambda i: (i, 0)),
        ],
        out_specs=[
            pl.BlockSpec((RBLK, D), lambda i: (i, 0)),
            pl.BlockSpec((NC, RBLK, HD), lambda i: (0, i, 0)),
        ],
        out_shape=[
            jax.ShapeDtypeStruct((NPAD, D), jnp.float32),
            jax.ShapeDtypeStruct((NC, NPAD, HD), jnp.float32),
        ],
    )(xp, xs2, o, dinv)


def _matmul_body(x_ref, w_ref, b_ref, y_ref):
    y_ref[...] = jnp.dot(x_ref[...], w_ref[...],
                         preferred_element_type=jnp.float32) + b_ref[...]


def _matmul_call(xp, W, b2):
    return pl.pallas_call(
        _matmul_body,
        grid=(NB,),
        in_specs=[
            pl.BlockSpec((RBLK, D), lambda i: (i, 0)),
            pl.BlockSpec((D, D), lambda i: (0, 0)),
            pl.BlockSpec((1, D), lambda i: (0, 0)),
        ],
        out_specs=pl.BlockSpec((RBLK, D), lambda i: (i, 0)),
        out_shape=jax.ShapeDtypeStruct((NPAD, D), jnp.float32),
    )(xp, W, b2)


def kernel(x, edge_index, W, b):
    src = edge_index[0].astype(jnp.int32)
    dst = edge_index[1].astype(jnp.int32)
    src_r = src.reshape(NS, NCHUNK, CHUNK)
    dst_r = dst.reshape(NS, NCHUNK, CHUNK)
    dst_r32 = dst.reshape(NW, HNCHUNK, HCHUNK)
    xp = jnp.pad(x, ((0, NPAD - N), (0, 0)))
    zer = jnp.zeros((NPAD, HD), jnp.float32)

    hist = _hist_call(dst_r32)
    hflat = hist.reshape(NC, NPAD, 1)
    dinv, xs2 = _scale_call(hflat[0], hflat[1], xp)

    def step(carry, _):
        xc, xs2c = carry
        o = _prop_call(xs2c, src_r, dst_r, zer)
        xn, xsn2 = _combine_call(xc, xs2c, o, dinv)
        return (xn, xsn2), None

    (x2, _), _ = lax.scan(step, (xp, xs2), None, length=2)
    y = _matmul_call(x2, W, b.reshape(1, D))
    return y[:N]

# --- scband reference (transcript-rebuilt; emitter-appended) ---
"""Pipeline reference for scband-dgconv-41137196761670 (READ-ONLY COPY).

The authoritative reference and input builder live on the scoring server;
editing this copy changes nothing except your own understanding.
"""

import jax, jax.numpy as jnp
import numpy as np

N = 10000
E = 320000
D_IN = 128
D_OUT = 128
T = 5.27
K = 2


def setup_inputs(seed: int = 0) -> dict:
    key = jax.random.key(seed)
    k1, k2, k3 = jax.random.split(key, 3)
    x = jax.random.normal(k1, (N, D_IN), dtype=jnp.float32)
    edge_index = jax.random.randint(k2, (2, E), 0, N)
    # glorot (xavier uniform) init for the decoupled linear layer
    limit = float(np.sqrt(6.0 / (D_IN + D_OUT)))
    W = jax.random.uniform(k3, (D_IN, D_OUT), dtype=jnp.float32, minval=-limit, maxval=limit)
    b = jnp.zeros((D_OUT,), dtype=jnp.float32)
    return {"x": x, "edge_index": edge_index, "W": W, "b": b}


def reference(x, edge_index, W, b):
    n = x.shape[0]
    src = edge_index[0]
    dst = edge_index[1]
    # add self loops (make_self_loops)
    loop = jnp.arange(n, dtype=src.dtype)
    src = jnp.concatenate([src, loop])
    dst = jnp.concatenate([dst, loop])
    w = jnp.ones((src.shape[0],), dtype=x.dtype)
    # gcn symmetric normalization (make_gcn_norm, add_self_loops=False)
    deg = jax.ops.segment_sum(w, dst, num_segments=n)
    deg_inv_sqrt = jnp.where(deg > 0, jax.lax.rsqrt(jnp.where(deg > 0, deg, 1.0)), 0.0)
    w = deg_inv_sqrt[src] * w * deg_inv_sqrt[dst]
    # decoupled diffusion: x <- (1-delta)*x + delta * A_hat @ x, K steps
    delta = T / K
    for _ in range(K):
        out = jax.ops.segment_sum(x[src] * w[:, None], dst, num_segments=n)
        x = (1.0 - delta) * x + delta * out
    # final linear transform
    return x @ W + b

if __name__ == "__main__":
    import jax
    _d = setup_inputs()
    print(jax.jit(kernel)(*tuple(_d.values())))

</pallas_src>

<mosaic_0001>
#map = affine_map<(d0, d1) -> (0, 0, 0)>
module attributes {stable_mosaic.version = 14 : i64} {
  func.func @_hist_body(%arg0: i32, %arg1: i32, %arg2: memref<32x125x80xi32, #tpu.memory_space<hbm>>, %arg3: memref<2x80x128xf32, #tpu.memory_space<hbm>>, %arg4: memref<125x80xi32, #tpu.memory_space<vmem>>, %arg5: memref<80x128xf32, #tpu.memory_space<vmem>>, %arg6: memref<1x80xi32, #tpu.memory_space<vmem>>, %arg7: memref<80x128xf32, #tpu.memory_space<vmem_shared>>) attributes {dimension_semantics = [#tpu.dimension_semantics<core_parallel>, #tpu.dimension_semantics<subcore_parallel>], iteration_bounds = array<i64: 2, 16>, scalar_prefetch = 0 : i64, scratch_operands = 4 : i64, tpu.core_type = #tpu.core_type<sc_vector_subcore>, window_params = [{transform_indices = #map}, {transform_indices = #map}]} {
    %mul3A = arith.constant 16 : i32
    %mul3A_0 = arith.muli %arg0, %mul3A : i32
    %add3A = arith.addi %mul3A_0, %arg1 : i32
    "tpu.region"() ({
      %run_scoped3A_60 = tpu.sem_alloc : memref<!tpu.dma_semaphore, #tpu.memory_space<semaphore_mem>>
      %dma_start3A = arith.constant 0 : i32
      %dma_start3A_61 = arith.constant 0 : i32
      %dma_start3A_62 = tpu.memref_slice %arg2[%add3A, %dma_start3A, %dma_start3A_61] : memref<32x125x80xi32, #tpu.memory_space<hbm>> -> memref<1x125x80xi32, #tpu.memory_space<hbm>>
      %dma_start3A_63 = tpu.memref_squeeze %dma_start3A_62 : memref<1x125x80xi32, #tpu.memory_space<hbm>> -> memref<125x80xi32, #tpu.memory_space<hbm>>
      %dma_start3A_64 = arith.constant 0 : i32
      %dma_start3A_65 = arith.constant 0 : i32
      %dma_start3A_66 = tpu.memref_slice %arg2[%add3A, %dma_start3A_64, %dma_start3A_65] : memref<32x125x80xi32, #tpu.memory_space<hbm>> -> memref<1x125x80xi32, #tpu.memory_space<hbm>>
      %dma_start3A_67 = tpu.memref_squeeze %dma_start3A_66 : memref<1x125x80xi32, #tpu.memory_space<hbm>> -> memref<125x80xi32, #tpu.memory_space<hbm>>
      tpu.enqueue_dma source(%dma_start3A_67 : memref<125x80xi32, #tpu.memory_space<hbm>>) target(%arg4 : memref<125x80xi32, #tpu.memory_space<vmem>>) target_semaphore(%run_scoped3A_60 : memref<!tpu.dma_semaphore, #tpu.memory_space<semaphore_mem>>)
      %dma_wait3A = arith.constant 0 : i32
      %dma_wait3A_68 = arith.constant 0 : i32
      %dma_wait3A_69 = tpu.memref_slice %arg2[%add3A, %dma_wait3A, %dma_wait3A_68] : memref<32x125x80xi32, #tpu.memory_space<hbm>> -> memref<1x125x80xi32, #tpu.memory_space<hbm>>
      %dma_wait3A_70 = tpu.memref_squeeze %dma_wait3A_69 : memref<1x125x80xi32, #tpu.memory_space<hbm>> -> memref<125x80xi32, #tpu.memory_space<hbm>>
      %dma_wait3A_71 = arith.constant 0 : i32
      %dma_wait3A_72 = arith.constant 0 : i32
      %dma_wait3A_73 = tpu.memref_slice %arg2[%add3A, %dma_wait3A_71, %dma_wait3A_72] : memref<32x125x80xi32, #tpu.memory_space<hbm>> -> memref<1x125x80xi32, #tpu.memory_space<hbm>>
      %dma_wait3A_74 = tpu.memref_squeeze %dma_wait3A_73 : memref<1x125x80xi32, #tpu.memory_space<hbm>> -> memref<125x80xi32, #tpu.memory_space<hbm>>
      tpu.wait_dma2 semaphore(%run_scoped3A_60 : memref<!tpu.dma_semaphore, #tpu.memory_space<semaphore_mem>>) src(%dma_wait3A_74 : memref<125x80xi32, #tpu.memory_space<hbm>>) dst(%arg4 : memref<125x80xi32, #tpu.memory_space<vmem>>)
      tpu.yield
    }) : () -> ()
    %broadcast_in_dim3A = arith.constant 0.000000e+00 : f32
    %broadcast_in_dim3A_1 = vector.broadcast %broadcast_in_dim3A : f32 to vector<16xf32>
    %scan3A = arith.constant 0 : i32
    %scan3A_2 = arith.constant 0 : i32
    %scan3A_3 = arith.constant 80 : i32
    %scan3A_4 = arith.addi %scan3A_2, %scan3A_3 : i32
    %scan3A_5 = arith.constant 1 : i32
    scf.for %scan3A_60 = %scan3A_2 to %scan3A_4 step %scan3A_5  : i32 {
      %swap3A_61 = arith.index_cast %scan3A_60 : i32 to index
      %swap3A_62 = arith.constant 0 : index
      %swap3A_63 = tpu.vector_load %arg5[%swap3A_61, %swap3A_62] {strides = array<i32>} : memref<80x128xf32, #tpu.memory_space<vmem>>, vector<16xf32>,
      tpu.vector_store %arg5[%swap3A_61, %swap3A_62], %broadcast_in_dim3A_1 {strides = array<i32>} : memref<80x128xf32, #tpu.memory_space<vmem>>, vector<16xf32>,
      %swap3A_64 = arith.index_cast %scan3A_60 : i32 to index
      %swap3A_65 = arith.constant 16 : index
      %swap3A_66 = tpu.vector_load %arg5[%swap3A_64, %swap3A_65] {strides = array<i32>} : memref<80x128xf32, #tpu.memory_space<vmem>>, vector<16xf32>,
      tpu.vector_store %arg5[%swap3A_64, %swap3A_65], %broadcast_in_dim3A_1 {strides = array<i32>} : memref<80x128xf32, #tpu.memory_space<vmem>>, vector<16xf32>,
      %swap3A_67 = arith.index_cast %scan3A_60 : i32 to index
      %swap3A_68 = arith.constant 32 : index
      %swap3A_69 = tpu.vector_load %arg5[%swap3A_67, %swap3A_68] {strides = array<i32>} : memref<80x128xf32, #tpu.memory_space<vmem>>, vector<16xf32>,
      tpu.vector_store %arg5[%swap3A_67, %swap3A_68], %broadcast_in_dim3A_1 {strides = array<i32>} : memref<80x128xf32, #tpu.memory_space<vmem>>, vector<16xf32>,
      %swap3A_70 = arith.index_cast %scan3A_60 : i32 to index
      %swap3A_71 = arith.constant 48 : index
      %swap3A_72 = tpu.vector_load %arg5[%swap3A_70, %swap3A_71] {strides = array<i32>} : memref<80x128xf32, #tpu.memory_space<vmem>>, vector<16xf32>,
      tpu.vector_store %arg5[%swap3A_70, %swap3A_71], %broadcast_in_dim3A_1 {strides = array<i32>} : memref<80x128xf32, #tpu.memory_space<vmem>>, vector<16xf32>,
      %swap3A_73 = arith.index_cast %scan3A_60 : i32 to index
      %swap3A_74 = arith.constant 64 : index
      %swap3A_75 = tpu.vector_load %arg5[%swap3A_73, %swap3A_74] {strides = array<i32>} : memref<80x128xf32, #tpu.memory_space<vmem>>, vector<16xf32>,
      tpu.vector_store %arg5[%swap3A_73, %swap3A_74], %broadcast_in_dim3A_1 {strides = array<i32>} : memref<80x128xf32, #tpu.memory_space<vmem>>, vector<16xf32>,
      %swap3A_76 = arith.index_cast %scan3A_60 : i32 to index
      %swap3A_77 = arith.constant 80 : index
      %swap3A_78 = tpu.vector_load %arg5[%swap3A_76, %swap3A_77] {strides = array<i32>} : memref<80x128xf32, #tpu.memory_space<vmem>>, vector<16xf32>,
      tpu.vector_store %arg5[%swap3A_76, %swap3A_77], %broadcast_in_dim3A_1 {strides = array<i32>} : memref<80x128xf32, #tpu.memory_space<vmem>>, vector<16xf32>,
      %swap3A_79 = arith.index_cast %scan3A_60 : i32 to index
      %swap3A_80 = arith.constant 96 : index
      %swap3A_81 = tpu.vector_load %arg5[%swap3A_79, %swap3A_80] {strides = array<i32>} : memref<80x128xf32, #tpu.memory_space<vmem>>, vector<16xf32>,
      tpu.vector_store %arg5[%swap3A_79, %swap3A_80], %broadcast_in_dim3A_1 {strides = array<i32>} : memref<80x128xf32, #tpu.memory_space<vmem>>, vector<16xf32>,
      %swap3A_82 = arith.index_cast %scan3A_60 : i32 to index
      %swap3A_83 = arith.constant 112 : index
      %swap3A_84 = tpu.vector_load %arg5[%swap3A_82, %swap3A_83] {strides = array<i32>} : memref<80x128xf32, #tpu.memory_space<vmem>>, vector<16xf32>,
      tpu.vector_store %arg5[%swap3A_82, %swap3A_83], %broadcast_in_dim3A_1 {strides = array<i32>} : memref<80x128xf32, #tpu.memory_space<vmem>>, vector<16xf32>,
    }
    %scan3A_6 = arith.constant 80 : i32
    %iota3A = tpu.iota {dimensions = array<i32: 0>} : vector<16xi32>
    %add3A_7 = arith.constant 0 : i32
    %add3A_8 = vector.broadcast %add3A_7 : i32 to vector<16xi32>
    %add3A_9 = arith.addi %iota3A, %add3A_8 : vector<16xi32>
    %swap3A = arith.constant 0 : i32
    %swap3A_10 = arith.index_cast %swap3A : i32 to index
    %swap3A_11 = arith.constant 0 : index
    %swap3A_12 = tpu.vector_load %arg6[%swap3A_10, %swap3A_11] {strides = array<i32>} : memref<1x80xi32, #tpu.memory_space<vmem>>, vector<16xi32>,
    tpu.vector_store %arg6[%swap3A_10, %swap3A_11], %add3A_9 {strides = array<i32>} : memref<1x80xi32, #tpu.memory_space<vmem>>, vector<16xi32>,
    %iota3A_13 = tpu.iota {dimensions = array<i32: 0>} : vector<16xi32>
    %add3A_14 = arith.constant 16 : i32
    %add3A_15 = vector.broadcast %add3A_14 : i32 to vector<16xi32>
    %add3A_16 = arith.addi %iota3A_13, %add3A_15 : vector<16xi32>
    %swap3A_17 = arith.constant 0 : i32
    %swap3A_18 = arith.index_cast %swap3A_17 : i32 to index
    %swap3A_19 = arith.constant 16 : index
    %swap3A_20 = tpu.vector_load %arg6[%swap3A_18, %swap3A_19] {strides = array<i32>} : memref<1x80xi32, #tpu.memory_space<vmem>>, vector<16xi32>,
    tpu.vector_store %arg6[%swap3A_18, %swap3A_19], %add3A_16 {strides = array<i32>} : memref<1x80xi32, #tpu.memory_space<vmem>>, vector<16xi32>,
    %iota3A_21 = tpu.iota {dimensions = array<i32: 0>} : vector<16xi32>
    %add3A_22 = arith.constant 32 : i32
    %add3A_23 = vector.broadcast %add3A_22 : i32 to vector<16xi32>
    %add3A_24 = arith.addi %iota3A_21, %add3A_23 : vector<16xi32>
    %swap3A_25 = arith.constant 0 : i32
    %swap3A_26 = arith.index_cast %swap3A_25 : i32 to index
    %swap3A_27 = arith.constant 32 : index
    %swap3A_28 = tpu.vector_load %arg6[%swap3A_26, %swap3A_27] {strides = array<i32>} : memref<1x80xi32, #tpu.memory_space<vmem>>, vector<16xi32>,
    tpu.vector_store %arg6[%swap3A_26, %swap3A_27], %add3A_24 {strides = array<i32>} : memref<1x80xi32, #tpu.memory_space<vmem>>, vector<16xi32>,
    %iota3A_29 = tpu.iota {dimensions = array<i32: 0>} : vector<16xi32>
    %add3A_30 = arith.constant 48 : i32
    %add3A_31 = vector.broadcast %add3A_30 : i32 to vector<16xi32>
    %add3A_32 = arith.addi %iota3A_29, %add3A_31 : vector<16xi32>
    %swap3A_33 = arith.constant 0 : i32
    %swap3A_34 = arith.index_cast %swap3A_33 : i32 to index
    %swap3A_35 = arith.constant 48 : index
    %swap3A_36 = tpu.vector_load %arg6[%swap3A_34, %swap3A_35] {strides = array<i32>} : memref<1x80xi32, #tpu.memory_space<vmem>>, vector<16xi32>,
    tpu.vector_store %arg6[%swap3A_34, %swap3A_35], %add3A_32 {strides = array<i32>} : memref<1x80xi32, #tpu.memory_space<vmem>>, vector<16xi32>,
    %iota3A_37 = tpu.iota {dimensions = array<i32: 0>} : vector<16xi32>
    %add3A_38 = arith.constant 64 : i32
    %add3A_39 = vector.broadcast %add3A_38 : i32 to vector<16xi32>
    %add3A_40 = arith.addi %iota3A_37, %add3A_39 : vector<16xi32>
    %swap3A_41 = arith.constant 0 : i32
    %swap3A_42 = arith.index_cast %swap3A_41 : i32 to index
    %swap3A_43 = arith.constant 64 : index
    %swap3A_44 = tpu.vector_load %arg6[%swap3A_42, %swap3A_43] {strides = array<i32>} : memref<1x80xi32, #tpu.memory_space<vmem>>, vector<16xi32>,
    tpu.vector_store %arg6[%swap3A_42, %swap3A_43], %add3A_40 {strides = array<i32>} : memref<1x80xi32, #tpu.memory_space<vmem>>, vector<16xi32>,
    %eq3A = arith.constant 0 : i32
    %eq3A_45 = arith.cmpi eq, %arg1, %eq3A : i32
    %convert_element_type3A = arith.extui %eq3A_45 : i1 to i32
    %cond3A = arith.constant 0 : i32
    %cond3A_46 = arith.cmpi ne, %convert_element_type3A, %cond3A : i32
    scf.if %cond3A_46 {
      "tpu.region"() ({
        %run_scoped3A_60 = tpu.sem_alloc : memref<!tpu.dma_semaphore, #tpu.memory_space<semaphore_mem>>
        tpu.enqueue_dma source(%arg5 : memref<80x128xf32, #tpu.memory_space<vmem>>) target(%arg7 : memref<80x128xf32, #tpu.memory_space<vmem_shared>>) target_semaphore(%run_scoped3A_60 : memref<!tpu.dma_semaphore, #tpu.memory_space<semaphore_mem>>)
        tpu.wait_dma2 semaphore(%run_scoped3A_60 : memref<!tpu.dma_semaphore, #tpu.memory_space<semaphore_mem>>) src(%arg5 : memref<80x128xf32, #tpu.memory_space<vmem>>) dst(%arg7 : memref<80x128xf32, #tpu.memory_space<vmem_shared>>)
        tpu.yield
      }) : () -> ()
    } else {
    }
    %barrier3A = arith.constant 0 : index
    tpu.barrier barrier_id(%barrier3A)
    %broadcast_in_dim3A_47 = arith.constant 1.000000e+00 : f32
    %broadcast_in_dim3A_48 = vector.broadcast %broadcast_in_dim3A_47 : f32 to vector<16xf32>
    %scan3A_49 = arith.constant 0 : i32
    %scan3A_50 = arith.constant 0 : i32
    %scan3A_51 = arith.constant 125 : i32
    %scan3A_52 = arith.addi %scan3A_50, %scan3A_51 : i32
    %scan3A_53 = arith.constant 1 : i32
    scf.for %scan3A_60 = %scan3A_50 to %scan3A_52 step %scan3A_53  : i32 {
      %get3A = arith.index_cast %scan3A_60 : i32 to index
      %get3A_61 = arith.constant 0 : index
      %get3A_62 = tpu.vector_load %arg4[%get3A, %get3A_61] {strides = array<i32>} : memref<125x80xi32, #tpu.memory_space<vmem>>, vector<16xi32>,
      %shift_right_logical3A = arith.constant 7 : i32
      %shift_right_logical3A_63 = vector.broadcast %shift_right_logical3A : i32 to vector<16xi32>
      %shift_right_logical3A_64 = arith.shrui %get3A_62, %shift_right_logical3A_63 : vector<16xi32>
      %and3A = arith.constant 127 : i32
      %and3A_65 = vector.broadcast %and3A : i32 to vector<16xi32>
      %and3A_66 = arith.andi %get3A_62, %and3A_65 : vector<16xi32>
      tpu.vector_store_idx %arg5[%shift_right_logical3A_64, %and3A_66], %broadcast_in_dim3A_48 {add = true} : memref<80x128xf32, #tpu.memory_space<vmem>>[vector<16xi32>, vector<16xi32>], vector<16xf32>,
      %get3A_67 = arith.index_cast %scan3A_60 : i32 to index
      %get3A_68 = arith.constant 16 : index
      %get3A_69 = tpu.vector_load %arg4[%get3A_67, %get3A_68] {strides = array<i32>} : memref<125x80xi32, #tpu.memory_space<vmem>>, vector<16xi32>,
      %shift_right_logical3A_70 = arith.constant 7 : i32
      %shift_right_logical3A_71 = vector.broadcast %shift_right_logical3A_70 : i32 to vector<16xi32>
      %shift_right_logical3A_72 = arith.shrui %get3A_69, %shift_right_logical3A_71 : vector<16xi32>
      %and3A_73 = arith.constant 127 : i32
      %and3A_74 = vector.broadcast %and3A_73 : i32 to vector<16xi32>
      %and3A_75 = arith.andi %get3A_69, %and3A_74 : vector<16xi32>
      tpu.vector_store_idx %arg5[%shift_right_logical3A_72, %and3A_75], %broadcast_in_dim3A_48 {add = true} : memref<80x128xf32, #tpu.memory_space<vmem>>[vector<16xi32>, vector<16xi32>], vector<16xf32>,
      %get3A_76 = arith.index_cast %scan3A_60 : i32 to index
      %get3A_77 = arith.constant 32 : index
      %get3A_78 = tpu.vector_load %arg4[%get3A_76, %get3A_77] {strides = array<i32>} : memref<125x80xi32, #tpu.memory_space<vmem>>, vector<16xi32>,
      %shift_right_logical3A_79 = arith.constant 7 : i32
      %shift_right_logical3A_80 = vector.broadcast %shift_right_logical3A_79 : i32 to vector<16xi32>
      %shift_right_logical3A_81 = arith.shrui %get3A_78, %shift_right_logical3A_80 : vector<16xi32>
      %and3A_82 = arith.constant 127 : i32
      %and3A_83 = vector.broadcast %and3A_82 : i32 to vector<16xi32>
      %and3A_84 = arith.andi %get3A_78, %and3A_83 : vector<16xi32>
      tpu.vector_store_idx %arg5[%shift_right_logical3A_81, %and3A_84], %broadcast_in_dim3A_48 {add = true} : memref<80x128xf32, #tpu.memory_space<vmem>>[vector<16xi32>, vector<16xi32>], vector<16xf32>,
      %get3A_85 = arith.index_cast %scan3A_60 : i32 to index
      %get3A_86 = arith.constant 48 : index
      %get3A_87 = tpu.vector_load %arg4[%get3A_85, %get3A_86] {strides = array<i32>} : memref<125x80xi32, #tpu.memory_space<vmem>>, vector<16xi32>,
      %shift_right_logical3A_88 = arith.constant 7 : i32
      %shift_right_logical3A_89 = vector.broadcast %shift_right_logical3A_88 : i32 to vector<16xi32>
      %shift_right_logical3A_90 = arith.shrui %get3A_87, %shift_right_logical3A_89 : vector<16xi32>
      %and3A_91 = arith.constant 127 : i32
      %and3A_92 = vector.broadcast %and3A_91 : i32 to vector<16xi32>
      %and3A_93 = arith.andi %get3A_87, %and3A_92 : vector<16xi32>
      tpu.vector_store_idx %arg5[%shift_right_logical3A_90, %and3A_93], %broadcast_in_dim3A_48 {add = true} : memref<80x128xf32, #tpu.memory_space<vmem>>[vector<16xi32>, vector<16xi32>], vector<16xf32>,
      %get3A_94 = arith.index_cast %scan3A_60 : i32 to index
      %get3A_95 = arith.constant 64 : index
      %get3A_96 = tpu.vector_load %arg4[%get3A_94, %get3A_95] {strides = array<i32>} : memref<125x80xi32, #tpu.memory_space<vmem>>, vector<16xi32>,
      %shift_right_logical3A_97 = arith.constant 7 : i32
      %shift_right_logical3A_98 = vector.broadcast %shift_right_logical3A_97 : i32 to vector<16xi32>
      %shift_right_logical3A_99 = arith.shrui %get3A_96, %shift_right_logical3A_98 : vector<16xi32>
      %and3A_100 = arith.constant 127 : i32
      %and3A_101 = vector.broadcast %and3A_100 : i32 to vector<16xi32>
      %and3A_102 = arith.andi %get3A_96, %and3A_101 : vector<16xi32>
      tpu.vector_store_idx %arg5[%shift_right_logical3A_99, %and3A_102], %broadcast_in_dim3A_48 {add = true} : memref<80x128xf32, #tpu.memory_space<vmem>>[vector<16xi32>, vector<16xi32>], vector<16xf32>,
    }
    %scan3A_54 = arith.constant 125 : i32
    %run_scoped3A = arith.constant 0 : i32
    "tpu.region"() ({
      %run_scoped3A_60 = tpu.sem_alloc : memref<!tpu.dma_semaphore, #tpu.memory_space<semaphore_mem>>
      %dma_start3A = arith.constant 0 : i32
      %dma_start3A_61 = tpu.memref_slice %arg6[%run_scoped3A, %dma_start3A] : memref<1x80xi32, #tpu.memory_space<vmem>> -> memref<1x80xi32, #tpu.memory_space<vmem>>
      %dma_start3A_62 = tpu.memref_squeeze %dma_start3A_61 : memref<1x80xi32, #tpu.memory_space<vmem>> -> memref<80xi32, #tpu.memory_space<vmem>>
      %dma_start3A_63 = arith.constant 0 : i32
      %dma_start3A_64 = arith.constant 0 : i32
      %dma_start3A_65 = tpu.memref_slice %arg7[%dma_start3A_63, %dma_start3A_64] : memref<80x128xf32, #tpu.memory_space<vmem_shared>> -> memref<80x128xf32, #tpu.memory_space<vmem_shared>>
      tpu.enqueue_indirect_dma source(%arg5 : memref<80x128xf32, #tpu.memory_space<vmem>>) target(%dma_start3A_65 : memref<80x128xf32, #tpu.memory_space<vmem_shared>>) offsets(%dma_start3A_62 : memref<80xi32, #tpu.memory_space<vmem>>) semaphore(%run_scoped3A_60 : memref<!tpu.dma_semaphore, #tpu.memory_space<semaphore_mem>>) {add = true}
      %dma_wait3A = arith.constant 0 : i32
      %dma_wait3A_66 = tpu.memref_slice %arg6[%run_scoped3A, %dma_wait3A] : memref<1x80xi32, #tpu.memory_space<vmem>> -> memref<1x80xi32, #tpu.memory_space<vmem>>
      %dma_wait3A_67 = tpu.memref_squeeze %dma_wait3A_66 : memref<1x80xi32, #tpu.memory_space<vmem>> -> memref<80xi32, #tpu.memory_space<vmem>>
      %dma_wait3A_68 = arith.constant 0 : i32
      %dma_wait3A_69 = arith.constant 0 : i32
      %dma_wait3A_70 = tpu.memref_slice %arg7[%dma_wait3A_68, %dma_wait3A_69] : memref<80x128xf32, #tpu.memory_space<vmem_shared>> -> memref<80x128xf32, #tpu.memory_space<vmem_shared>>
      tpu.wait_indirect_dma semaphore(%run_scoped3A_60 : memref<!tpu.dma_semaphore, #tpu.memory_space<semaphore_mem>>) src(%arg5 : memref<80x128xf32, #tpu.memory_space<vmem>>) dst(%dma_wait3A_70 : memref<80x128xf32, #tpu.memory_space<vmem_shared>>)
      tpu.yield
    }) : () -> ()
    %barrier3A_55 = arith.constant 0 : index
    tpu.barrier barrier_id(%barrier3A_55)
    %lt3A = arith.constant 10 : i32
    %lt3A_56 = arith.cmpi slt, %arg1, %lt3A : i32
    %convert_element_type3A_57 = arith.extui %lt3A_56 : i1 to i32
    %cond3A_58 = arith.constant 0 : i32
    %cond3A_59 = arith.cmpi ne, %convert_element_type3A_57, %cond3A_58 : i32
    scf.if %cond3A_59 {
      %mul3A_60 = arith.constant 8 : i32
      %mul3A_61 = arith.muli %arg1, %mul3A_60 : i32
      %mul3A_62 = arith.constant 8 : i32
      %mul3A_63 = arith.muli %arg1, %mul3A_62 : i32
      "tpu.region"() ({
        %run_scoped3A_64 = tpu.sem_alloc : memref<!tpu.dma_semaphore, #tpu.memory_space<semaphore_mem>>
        %dma_start3A = arith.constant 0 : i32
        %dma_start3A_65 = tpu.memref_slice %arg3[%arg0, %mul3A_63, %dma_start3A] : memref<2x80x128xf32, #tpu.memory_space<hbm>> -> memref<1x8x128xf32, #tpu.memory_space<hbm>>
        %dma_start3A_66 = tpu.memref_squeeze %dma_start3A_65 : memref<1x8x128xf32, #tpu.memory_space<hbm>> -> memref<8x128xf32, #tpu.memory_space<hbm>>
        %dma_start3A_67 = arith.constant 0 : i32
        %dma_start3A_68 = tpu.memref_slice %arg7[%mul3A_61, %dma_start3A_67] : memref<80x128xf32, #tpu.memory_space<vmem_shared>> -> memref<8x128xf32, #tpu.memory_space<vmem_shared>>
        tpu.enqueue_dma source(%dma_start3A_68 : memref<8x128xf32, #tpu.memory_space<vmem_shared>>) target(%dma_start3A_66 : memref<8x128xf32, #tpu.memory_space<hbm>>) target_semaphore(%run_scoped3A_64 : memref<!tpu.dma_semaphore, #tpu.memory_space<semaphore_mem>>)
        %dma_wait3A = arith.constant 0 : i32
        %dma_wait3A_69 = tpu.memref_slice %arg3[%arg0, %mul3A_63, %dma_wait3A] : memref<2x80x128xf32, #tpu.memory_space<hbm>> -> memref<1x8x128xf32, #tpu.memory_space<hbm>>
        %dma_wait3A_70 = tpu.memref_squeeze %dma_wait3A_69 : memref<1x8x128xf32, #tpu.memory_space<hbm>> -> memref<8x128xf32, #tpu.memory_space<hbm>>
        %dma_wait3A_71 = arith.constant 0 : i32
        %dma_wait3A_72 = tpu.memref_slice %arg7[%mul3A_61, %dma_wait3A_71] : memref<80x128xf32, #tpu.memory_space<vmem_shared>> -> memref<8x128xf32, #tpu.memory_space<vmem_shared>>
        tpu.wait_dma2 semaphore(%run_scoped3A_64 : memref<!tpu.dma_semaphore, #tpu.memory_space<semaphore_mem>>) src(%dma_wait3A_72 : memref<8x128xf32, #tpu.memory_space<vmem_shared>>) dst(%dma_wait3A_70 : memref<8x128xf32, #tpu.memory_space<hbm>>)
        tpu.yield
      }) : () -> ()
    } else {
    }
    return
  }
}

#map = affine_map<(d0, d1) -> (0, 0, 0)>
#map1 = affine_map<(d0, d1) -> (0, 0)>
module attributes {stable_mosaic.version = 14 : i64} {
  func.func @_prop_body(%arg0: i32, %arg1: i32, %arg2: memref<2x10240x64xf32, #tpu.memory_space<hbm>>, %arg3: memref<16x250x80xi32, #tpu.memory_space<hbm>>, %arg4: memref<16x250x80xi32, #tpu.memory_space<hbm>>, %arg5: memref<10240x64xf32, #tpu.memory_space<hbm>>, %arg6: memref<2x10240x64xf32, #tpu.memory_space<hbm>>, %arg7: memref<250x80xi32, #tpu.memory_space<vmem>>, %arg8: memref<250x80xi32, #tpu.memory_space<vmem>>, %arg9: memref<80x64xf32, #tpu.memory_space<vmem>>, %arg10: memref<80x64xf32, #tpu.memory_space<vmem>>, %arg11: memref<!tpu.dma_semaphore, #tpu.memory_space<semaphore_mem>>, %arg12: memref<!tpu.dma_semaphore, #tpu.memory_space<semaphore_mem>>, %arg13: memref<!tpu.dma_semaphore, #tpu.memory_space<semaphore_mem>>, %arg14: memref<!tpu.dma_semaphore, #tpu.memory_space<semaphore_mem>>, %arg15: memref<10240x64xf32, #tpu.memory_space<vmem_shared>>) attributes {dimension_semantics = [#tpu.dimension_semantics<core_parallel>, #tpu.dimension_semantics<subcore_parallel>], iteration_bounds = array<i64: 2, 16>, scalar_prefetch = 0 : i64, scratch_operands = 9 : i64, tpu.core_type = #tpu.core_type<sc_vector_subcore>, window_params = [{transform_indices = #map}, {transform_indices = #map}, {transform_indices = #map}, {transform_indices = #map1}, {transform_indices = #map}]} {
    "tpu.region"() ({
      %run_scoped3A = tpu.sem_alloc : memref<!tpu.dma_semaphore, #tpu.memory_space<semaphore_mem>>
      %dma_start3A_23 = arith.constant 0 : i32
      %dma_start3A_24 = arith.constant 0 : i32
      %dma_start3A_25 = tpu.memref_slice %arg3[%arg1, %dma_start3A_23, %dma_start3A_24] : memref<16x250x80xi32, #tpu.memory_space<hbm>> -> memref<1x250x80xi32, #tpu.memory_space<hbm>>
      %dma_start3A_26 = tpu.memref_squeeze %dma_start3A_25 : memref<1x250x80xi32, #tpu.memory_space<hbm>> -> memref<250x80xi32, #tpu.memory_space<hbm>>
      %dma_start3A_27 = arith.constant 0 : i32
      %dma_start3A_28 = arith.constant 0 : i32
      %dma_start3A_29 = tpu.memref_slice %arg3[%arg1, %dma_start3A_27, %dma_start3A_28] : memref<16x250x80xi32, #tpu.memory_space<hbm>> -> memref<1x250x80xi32, #tpu.memory_space<hbm>>
      %dma_start3A_30 = tpu.memref_squeeze %dma_start3A_29 : memref<1x250x80xi32, #tpu.memory_space<hbm>> -> memref<250x80xi32, #tpu.memory_space<hbm>>
      tpu.enqueue_dma source(%dma_start3A_30 : memref<250x80xi32, #tpu.memory_space<hbm>>) target(%arg7 : memref<250x80xi32, #tpu.memory_space<vmem>>) target_semaphore(%run_scoped3A : memref<!tpu.dma_semaphore, #tpu.memory_space<semaphore_mem>>)
      %dma_wait3A = arith.constant 0 : i32
      %dma_wait3A_31 = arith.constant 0 : i32
      %dma_wait3A_32 = tpu.memref_slice %arg3[%arg1, %dma_wait3A, %dma_wait3A_31] : memref<16x250x80xi32, #tpu.memory_space<hbm>> -> memref<1x250x80xi32, #tpu.memory_space<hbm>>
      %dma_wait3A_33 = tpu.memref_squeeze %dma_wait3A_32 : memref<1x250x80xi32, #tpu.memory_space<hbm>> -> memref<250x80xi32, #tpu.memory_space<hbm>>
      %dma_wait3A_34 = arith.constant 0 : i32
      %dma_wait3A_35 = arith.constant 0 : i32
      %dma_wait3A_36 = tpu.memref_slice %arg3[%arg1, %dma_wait3A_34, %dma_wait3A_35] : memref<16x250x80xi32, #tpu.memory_space<hbm>> -> memref<1x250x80xi32, #tpu.memory_space<hbm>>
      %dma_wait3A_37 = tpu.memref_squeeze %dma_wait3A_36 : memref<1x250x80xi32, #tpu.memory_space<hbm>> -> memref<250x80xi32, #tpu.memory_space<hbm>>
      tpu.wait_dma2 semaphore(%run_scoped3A : memref<!tpu.dma_semaphore, #tpu.memory_space<semaphore_mem>>) src(%dma_wait3A_37 : memref<250x80xi32, #tpu.memory_space<hbm>>) dst(%arg7 : memref<250x80xi32, #tpu.memory_space<vmem>>)
      tpu.yield
    }) : () -> ()
    "tpu.region"() ({
      %run_scoped3A = tpu.sem_alloc : memref<!tpu.dma_semaphore, #tpu.memory_space<semaphore_mem>>
      %dma_start3A_23 = arith.constant 0 : i32
      %dma_start3A_24 = arith.constant 0 : i32
      %dma_start3A_25 = tpu.memref_slice %arg4[%arg1, %dma_start3A_23, %dma_start3A_24] : memref<16x250x80xi32, #tpu.memory_space<hbm>> -> memref<1x250x80xi32, #tpu.memory_space<hbm>>
      %dma_start3A_26 = tpu.memref_squeeze %dma_start3A_25 : memref<1x250x80xi32, #tpu.memory_space<hbm>> -> memref<250x80xi32, #tpu.memory_space<hbm>>
      %dma_start3A_27 = arith.constant 0 : i32
      %dma_start3A_28 = arith.constant 0 : i32
      %dma_start3A_29 = tpu.memref_slice %arg4[%arg1, %dma_start3A_27, %dma_start3A_28] : memref<16x250x80xi32, #tpu.memory_space<hbm>> -> memref<1x250x80xi32, #tpu.memory_space<hbm>>
      %dma_start3A_30 = tpu.memref_squeeze %dma_start3A_29 : memref<1x250x80xi32, #tpu.memory_space<hbm>> -> memref<250x80xi32, #tpu.memory_space<hbm>>
      tpu.enqueue_dma source(%dma_start3A_30 : memref<250x80xi32, #tpu.memory_space<hbm>>) target(%arg8 : memref<250x80xi32, #tpu.memory_space<vmem>>) target_semaphore(%run_scoped3A : memref<!tpu.dma_semaphore, #tpu.memory_space<semaphore_mem>>)
      %dma_wait3A = arith.constant 0 : i32
      %dma_wait3A_31 = arith.constant 0 : i32
      %dma_wait3A_32 = tpu.memref_slice %arg4[%arg1, %dma_wait3A, %dma_wait3A_31] : memref<16x250x80xi32, #tpu.memory_space<hbm>> -> memref<1x250x80xi32, #tpu.memory_space<hbm>>
      %dma_wait3A_33 = tpu.memref_squeeze %dma_wait3A_32 : memref<1x250x80xi32, #tpu.memory_space<hbm>> -> memref<250x80xi32, #tpu.memory_space<hbm>>
      %dma_wait3A_34 = arith.constant 0 : i32
      %dma_wait3A_35 = arith.constant 0 : i32
      %dma_wait3A_36 = tpu.memref_slice %arg4[%arg1, %dma_wait3A_34, %dma_wait3A_35] : memref<16x250x80xi32, #tpu.memory_space<hbm>> -> memref<1x250x80xi32, #tpu.memory_space<hbm>>
      %dma_wait3A_37 = tpu.memref_squeeze %dma_wait3A_36 : memref<1x250x80xi32, #tpu.memory_space<hbm>> -> memref<250x80xi32, #tpu.memory_space<hbm>>
      tpu.wait_dma2 semaphore(%run_scoped3A : memref<!tpu.dma_semaphore, #tpu.memory_space<semaphore_mem>>) src(%dma_wait3A_37 : memref<250x80xi32, #tpu.memory_space<hbm>>) dst(%arg8 : memref<250x80xi32, #tpu.memory_space<vmem>>)
      tpu.yield
    }) : () -> ()
    %mul3A = arith.constant 640 : i32
    %mul3A_0 = arith.muli %arg1, %mul3A : i32
    %mul3A_1 = arith.constant 640 : i32
    %mul3A_2 = arith.muli %arg1, %mul3A_1 : i32
    "tpu.region"() ({
      %run_scoped3A = tpu.sem_alloc : memref<!tpu.dma_semaphore, #tpu.memory_space<semaphore_mem>>
      %dma_start3A_23 = arith.constant 0 : i32
      %dma_start3A_24 = tpu.memref_slice %arg15[%mul3A_2, %dma_start3A_23] : memref<10240x64xf32, #tpu.memory_space<vmem_shared>> -> memref<640x64xf32, #tpu.memory_space<vmem_shared>>
      %dma_start3A_25 = arith.constant 0 : i32
      %dma_start3A_26 = tpu.memref_slice %arg5[%mul3A_0, %dma_start3A_25] : memref<10240x64xf32, #tpu.memory_space<hbm>> -> memref<640x64xf32, #tpu.memory_space<hbm>>
      tpu.enqueue_dma source(%dma_start3A_26 : memref<640x64xf32, #tpu.memory_space<hbm>>) target(%dma_start3A_24 : memref<640x64xf32, #tpu.memory_space<vmem_shared>>) target_semaphore(%run_scoped3A : memref<!tpu.dma_semaphore, #tpu.memory_space<semaphore_mem>>)
      %dma_wait3A = arith.constant 0 : i32
      %dma_wait3A_27 = tpu.memref_slice %arg15[%mul3A_2, %dma_wait3A] : memref<10240x64xf32, #tpu.memory_space<vmem_shared>> -> memref<640x64xf32, #tpu.memory_space<vmem_shared>>
      %dma_wait3A_28 = arith.constant 0 : i32
      %dma_wait3A_29 = tpu.memref_slice %arg5[%mul3A_0, %dma_wait3A_28] : memref<10240x64xf32, #tpu.memory_space<hbm>> -> memref<640x64xf32, #tpu.memory_space<hbm>>
      tpu.wait_dma2 semaphore(%run_scoped3A : memref<!tpu.dma_semaphore, #tpu.memory_space<semaphore_mem>>) src(%dma_wait3A_29 : memref<640x64xf32, #tpu.memory_space<hbm>>) dst(%dma_wait3A_27 : memref<640x64xf32, #tpu.memory_space<vmem_shared>>)
      tpu.yield
    }) : () -> ()
    %barrier3A = arith.constant 0 : index
    tpu.barrier barrier_id(%barrier3A)
    %dma_start3A = arith.constant 0 : i32
    %dma_start3A_3 = arith.constant 0 : i32
    %dma_start3A_4 = tpu.memref_slice %arg7[%dma_start3A, %dma_start3A_3] : memref<250x80xi32, #tpu.memory_space<vmem>> -> memref<1x80xi32, #tpu.memory_space<vmem>>
    %dma_start3A_5 = tpu.memref_squeeze %dma_start3A_4 : memref<1x80xi32, #tpu.memory_space<vmem>> -> memref<80xi32, #tpu.memory_space<vmem>>
    %dma_start3A_6 = arith.constant 0 : i32
    %dma_start3A_7 = arith.constant 0 : i32
    %dma_start3A_8 = tpu.memref_slice %arg2[%arg0, %dma_start3A_6, %dma_start3A_7] : memref<2x10240x64xf32, #tpu.memory_space<hbm>> -> memref<1x10240x64xf32, #tpu.memory_space<hbm>>
    %dma_start3A_9 = tpu.memref_squeeze %dma_start3A_8 : memref<1x10240x64xf32, #tpu.memory_space<hbm>> -> memref<10240x64xf32, #tpu.memory_space<hbm>>
    %dma_start3A_10 = arith.constant 0 : i32
    %dma_start3A_11 = arith.constant 0 : i32
    %dma_start3A_12 = tpu.memref_slice %dma_start3A_9[%dma_start3A_10, %dma_start3A_11] : memref<10240x64xf32, #tpu.memory_space<hbm>> -> memref<10240x64xf32, #tpu.memory_space<hbm>>
    tpu.enqueue_indirect_dma source(%dma_start3A_12 : memref<10240x64xf32, #tpu.memory_space<hbm>>) target(%arg9 : memref<80x64xf32, #tpu.memory_space<vmem>>) offsets(%dma_start3A_5 : memref<80xi32, #tpu.memory_space<vmem>>) semaphore(%arg11 : memref<!tpu.dma_semaphore, #tpu.memory_space<semaphore_mem>>)
    %scan3A = arith.constant 0 : i32
    %scan3A_13 = arith.constant 0 : i32
    %scan3A_14 = arith.constant 125 : i32
    %scan3A_15 = arith.addi %scan3A_13, %scan3A_14 : i32
    %scan3A_16 = arith.constant 1 : i32
    scf.for %scan3A_23 = %scan3A_13 to %scan3A_15 step %scan3A_16  : i32 {
      %mul3A_24 = arith.constant 2 : i32
      %mul3A_25 = arith.muli %scan3A_23, %mul3A_24 : i32
      %dma_wait3A = arith.constant 0 : i32
      %dma_wait3A_26 = tpu.memref_slice %arg7[%mul3A_25, %dma_wait3A] : memref<250x80xi32, #tpu.memory_space<vmem>> -> memref<1x80xi32, #tpu.memory_space<vmem>>
      %dma_wait3A_27 = tpu.memref_squeeze %dma_wait3A_26 : memref<1x80xi32, #tpu.memory_space<vmem>> -> memref<80xi32, #tpu.memory_space<vmem>>
      %dma_wait3A_28 = arith.constant 0 : i32
      %dma_wait3A_29 = arith.constant 0 : i32
      %dma_wait3A_30 = tpu.memref_slice %arg2[%arg0, %dma_wait3A_28, %dma_wait3A_29] : memref<2x10240x64xf32, #tpu.memory_space<hbm>> -> memref<1x10240x64xf32, #tpu.memory_space<hbm>>
      %dma_wait3A_31 = tpu.memref_squeeze %dma_wait3A_30 : memref<1x10240x64xf32, #tpu.memory_space<hbm>> -> memref<10240x64xf32, #tpu.memory_space<hbm>>
      %dma_wait3A_32 = arith.constant 0 : i32
      %dma_wait3A_33 = arith.constant 0 : i32
      %dma_wait3A_34 = tpu.memref_slice %dma_wait3A_31[%dma_wait3A_32, %dma_wait3A_33] : memref<10240x64xf32, #tpu.memory_space<hbm>> -> memref<10240x64xf32, #tpu.memory_space<hbm>>
      tpu.wait_indirect_dma semaphore(%arg11 : memref<!tpu.dma_semaphore, #tpu.memory_space<semaphore_mem>>) src(%dma_wait3A_34 : memref<10240x64xf32, #tpu.memory_space<hbm>>) dst(%arg9 : memref<80x64xf32, #tpu.memory_space<vmem>>)
      %add3A = arith.constant 1 : i32
      %add3A_35 = arith.addi %mul3A_25, %add3A : i32
      %dma_start3A_36 = arith.constant 0 : i32
      %dma_start3A_37 = tpu.memref_slice %arg7[%add3A_35, %dma_start3A_36] : memref<250x80xi32, #tpu.memory_space<vmem>> -> memref<1x80xi32, #tpu.memory_space<vmem>>
      %dma_start3A_38 = tpu.memref_squeeze %dma_start3A_37 : memref<1x80xi32, #tpu.memory_space<vmem>> -> memref<80xi32, #tpu.memory_space<vmem>>
      %dma_start3A_39 = arith.constant 0 : i32
      %dma_start3A_40 = arith.constant 0 : i32
      %dma_start3A_41 = tpu.memref_slice %arg2[%arg0, %dma_start3A_39, %dma_start3A_40] : memref<2x10240x64xf32, #tpu.memory_space<hbm>> -> memref<1x10240x64xf32, #tpu.memory_space<hbm>>
      %dma_start3A_42 = tpu.memref_squeeze %dma_start3A_41 : memref<1x10240x64xf32, #tpu.memory_space<hbm>> -> memref<10240x64xf32, #tpu.memory_space<hbm>>
      %dma_start3A_43 = arith.constant 0 : i32
      %dma_start3A_44 = arith.constant 0 : i32
      %dma_start3A_45 = tpu.memref_slice %dma_start3A_42[%dma_start3A_43, %dma_start3A_44] : memref<10240x64xf32, #tpu.memory_space<hbm>> -> memref<10240x64xf32, #tpu.memory_space<hbm>>
      tpu.enqueue_indirect_dma source(%dma_start3A_45 : memref<10240x64xf32, #tpu.memory_space<hbm>>) target(%arg10 : memref<80x64xf32, #tpu.memory_space<vmem>>) offsets(%dma_start3A_38 : memref<80xi32, #tpu.memory_space<vmem>>) semaphore(%arg12 : memref<!tpu.dma_semaphore, #tpu.memory_space<semaphore_mem>>)
      "tpu.region"() ({
        %run_scoped3A = tpu.sem_alloc : memref<!tpu.dma_semaphore, #tpu.memory_space<semaphore_mem>>
        %dma_start3A_64 = arith.constant 0 : i32
        %dma_start3A_65 = tpu.memref_slice %arg8[%mul3A_25, %dma_start3A_64] : memref<250x80xi32, #tpu.memory_space<vmem>> -> memref<1x80xi32, #tpu.memory_space<vmem>>
        %dma_start3A_66 = tpu.memref_squeeze %dma_start3A_65 : memref<1x80xi32, #tpu.memory_space<vmem>> -> memref<80xi32, #tpu.memory_space<vmem>>
        %dma_start3A_67 = arith.constant 0 : i32
        %dma_start3A_68 = arith.constant 0 : i32
        %dma_start3A_69 = tpu.memref_slice %arg15[%dma_start3A_67, %dma_start3A_68] : memref<10240x64xf32, #tpu.memory_space<vmem_shared>> -> memref<10240x64xf32, #tpu.memory_space<vmem_shared>>
        tpu.enqueue_indirect_dma source(%arg9 : memref<80x64xf32, #tpu.memory_space<vmem>>) target(%dma_start3A_69 : memref<10240x64xf32, #tpu.memory_space<vmem_shared>>) offsets(%dma_start3A_66 : memref<80xi32, #tpu.memory_space<vmem>>) semaphore(%run_scoped3A : memref<!tpu.dma_semaphore, #tpu.memory_space<semaphore_mem>>) {add = true}
        %dma_wait3A_70 = arith.constant 0 : i32
        %dma_wait3A_71 = tpu.memref_slice %arg8[%mul3A_25, %dma_wait3A_70] : memref<250x80xi32, #tpu.memory_space<vmem>> -> memref<1x80xi32, #tpu.memory_space<vmem>>
        %dma_wait3A_72 = tpu.memref_squeeze %dma_wait3A_71 : memref<1x80xi32, #tpu.memory_space<vmem>> -> memref<80xi32, #tpu.memory_space<vmem>>
        %dma_wait3A_73 = arith.constant 0 : i32
        %dma_wait3A_74 = arith.constant 0 : i32
        %dma_wait3A_75 = tpu.memref_slice %arg15[%dma_wait3A_73, %dma_wait3A_74] : memref<10240x64xf32, #tpu.memory_space<vmem_shared>> -> memref<10240x64xf32, #tpu.memory_space<vmem_shared>>
        tpu.wait_indirect_dma semaphore(%run_scoped3A : memref<!tpu.dma_semaphore, #tpu.memory_space<semaphore_mem>>) src(%arg9 : memref<80x64xf32, #tpu.memory_space<vmem>>) dst(%dma_wait3A_75 : memref<10240x64xf32, #tpu.memory_space<vmem_shared>>)
        tpu.yield
      }) : () -> ()
      %add3A_46 = arith.constant 1 : i32
      %add3A_47 = arith.addi %mul3A_25, %add3A_46 : i32
      %dma_wait3A_48 = arith.constant 0 : i32
      %dma_wait3A_49 = tpu.memref_slice %arg7[%add3A_47, %dma_wait3A_48] : memref<250x80xi32, #tpu.memory_space<vmem>> -> memref<1x80xi32, #tpu.memory_space<vmem>>
      %dma_wait3A_50 = tpu.memref_squeeze %dma_wait3A_49 : memref<1x80xi32, #tpu.memory_space<vmem>> -> memref<80xi32, #tpu.memory_space<vmem>>
      %dma_wait3A_51 = arith.constant 0 : i32
      %dma_wait3A_52 = arith.constant 0 : i32
      %dma_wait3A_53 = tpu.memref_slice %arg2[%arg0, %dma_wait3A_51, %dma_wait3A_52] : memref<2x10240x64xf32, #tpu.memory_space<hbm>> -> memref<1x10240x64xf32, #tpu.memory_space<hbm>>
      %dma_wait3A_54 = tpu.memref_squeeze %dma_wait3A_53 : memref<1x10240x64xf32, #tpu.memory_space<hbm>> -> memref<10240x64xf32, #tpu.memory_space<hbm>>
      %dma_wait3A_55 = arith.constant 0 : i32
      %dma_wait3A_56 = arith.constant 0 : i32
      %dma_wait3A_57 = tpu.memref_slice %dma_wait3A_54[%dma_wait3A_55, %dma_wait3A_56] : memref<10240x64xf32, #tpu.memory_space<hbm>> -> memref<10240x64xf32, #tpu.memory_space<hbm>>
      tpu.wait_indirect_dma semaphore(%arg12 : memref<!tpu.dma_semaphore, #tpu.memory_space<semaphore_mem>>) src(%dma_wait3A_57 : memref<10240x64xf32, #tpu.memory_space<hbm>>) dst(%arg10 : memref<80x64xf32, #tpu.memory_space<vmem>>)
      %add3A_58 = arith.constant 2 : i32
      %add3A_59 = arith.addi %mul3A_25, %add3A_58 : i32
      %lt3A = arith.constant 250 : i32
      %lt3A_60 = arith.cmpi slt, %add3A_59, %lt3A : i32
      %convert_element_type3A = arith.extui %lt3A_60 : i1 to i32
      %cond3A = arith.constant 0 : i32
      %cond3A_61 = arith.cmpi ne, %convert_element_type3A, %cond3A : i32
      scf.if %cond3A_61 {
        %add3A_64 = arith.constant 2 : i32
        %add3A_65 = arith.addi %mul3A_25, %add3A_64 : i32
        %dma_start3A_66 = arith.constant 0 : i32
        %dma_start3A_67 = tpu.memref_slice %arg7[%add3A_65, %dma_start3A_66] : memref<250x80xi32, #tpu.memory_space<vmem>> -> memref<1x80xi32, #tpu.memory_space<vmem>>
        %dma_start3A_68 = tpu.memref_squeeze %dma_start3A_67 : memref<1x80xi32, #tpu.memory_space<vmem>> -> memref<80xi32, #tpu.memory_space<vmem>>
        %dma_start3A_69 = arith.constant 0 : i32
        %dma_start3A_70 = arith.constant 0 : i32
        %dma_start3A_71 = tpu.memref_slice %arg2[%arg0, %dma_start3A_69, %dma_start3A_70] : memref<2x10240x64xf32, #tpu.memory_space<hbm>> -> memref<1x10240x64xf32, #tpu.memory_space<hbm>>
        %dma_start3A_72 = tpu.memref_squeeze %dma_start3A_71 : memref<1x10240x64xf32, #tpu.memory_space<hbm>> -> memref<10240x64xf32, #tpu.memory_space<hbm>>
        %dma_start3A_73 = arith.constant 0 : i32
        %dma_start3A_74 = arith.constant 0 : i32
        %dma_start3A_75 = tpu.memref_slice %dma_start3A_72[%dma_start3A_73, %dma_start3A_74] : memref<10240x64xf32, #tpu.memory_space<hbm>> -> memref<10240x64xf32, #tpu.memory_space<hbm>>
        tpu.enqueue_indirect_dma source(%dma_start3A_75 : memref<10240x64xf32, #tpu.memory_space<hbm>>) target(%arg9 : memref<80x64xf32, #tpu.memory_space<vmem>>) offsets(%dma_start3A_68 : memref<80xi32, #tpu.memory_space<vmem>>) semaphore(%arg11 : memref<!tpu.dma_semaphore, #tpu.memory_space<semaphore_mem>>)
      } else {
      }
      %add3A_62 = arith.constant 1 : i32
      %add3A_63 = arith.addi %mul3A_25, %add3A_62 : i32
      "tpu.region"() ({
        %run_scoped3A = tpu.sem_alloc : memref<!tpu.dma_semaphore, #tpu.memory_space<semaphore_mem>>
        %dma_start3A_64 = arith.constant 0 : i32
        %dma_start3A_65 = tpu.memref_slice %arg8[%add3A_63, %dma_start3A_64] : memref<250x80xi32, #tpu.memory_space<vmem>> -> memref<1x80xi32, #tpu.memory_space<vmem>>
        %dma_start3A_66 = tpu.memref_squeeze %dma_start3A_65 : memref<1x80xi32, #tpu.memory_space<vmem>> -> memref<80xi32, #tpu.memory_space<vmem>>
        %dma_start3A_67 = arith.constant 0 : i32
        %dma_start3A_68 = arith.constant 0 : i32
        %dma_start3A_69 = tpu.memref_slice %arg15[%dma_start3A_67, %dma_start3A_68] : memref<10240x64xf32, #tpu.memory_space<vmem_shared>> -> memref<10240x64xf32, #tpu.memory_space<vmem_shared>>
        tpu.enqueue_indirect_dma source(%arg10 : memref<80x64xf32, #tpu.memory_space<vmem>>) target(%dma_start3A_69 : memref<10240x64xf32, #tpu.memory_space<vmem_shared>>) offsets(%dma_start3A_66 : memref<80xi32, #tpu.memory_space<vmem>>) semaphore(%run_scoped3A : memref<!tpu.dma_semaphore, #tpu.memory_space<semaphore_mem>>) {add = true}
        %dma_wait3A_70 = arith.constant 0 : i32
        %dma_wait3A_71 = tpu.memref_slice %arg8[%add3A_63, %dma_wait3A_70] : memref<250x80xi32, #tpu.memory_space<vmem>> -> memref<1x80xi32, #tpu.memory_space<vmem>>
        %dma_wait3A_72 = tpu.memref_squeeze %dma_wait3A_71 : memref<1x80xi32, #tpu.memory_space<vmem>> -> memref<80xi32, #tpu.memory_space<vmem>>
        %dma_wait3A_73 = arith.constant 0 : i32
        %dma_wait3A_74 = arith.constant 0 : i32
        %dma_wait3A_75 = tpu.memref_slice %arg15[%dma_wait3A_73, %dma_wait3A_74] : memref<10240x64xf32, #tpu.memory_space<vmem_shared>> -> memref<10240x64xf32, #tpu.memory_space<vmem_shared>>
        tpu.wait_indirect_dma semaphore(%run_scoped3A : memref<!tpu.dma_semaphore, #tpu.memory_space<semaphore_mem>>) src(%arg10 : memref<80x64xf32, #tpu.memory_space<vmem>>) dst(%dma_wait3A_75 : memref<10240x64xf32, #tpu.memory_space<vmem_shared>>)
        tpu.yield
      }) : () -> ()
    }
    %scan3A_17 = arith.constant 125 : i32
    %barrier3A_18 = arith.constant 0 : index
    tpu.barrier barrier_id(%barrier3A_18)
    %mul3A_19 = arith.constant 640 : i32
    %mul3A_20 = arith.muli %arg1, %mul3A_19 : i32
    %mul3A_21 = arith.constant 640 : i32
    %mul3A_22 = arith.muli %arg1, %mul3A_21 : i32
    "tpu.region"() ({
      %run_scoped3A = tpu.sem_alloc : memref<!tpu.dma_semaphore, #tpu.memory_space<semaphore_mem>>
      %dma_start3A_23 = arith.constant 0 : i32
      %dma_start3A_24 = tpu.memref_slice %arg6[%arg0, %mul3A_22, %dma_start3A_23] : memref<2x10240x64xf32, #tpu.memory_space<hbm>> -> memref<1x640x64xf32, #tpu.memory_space<hbm>>
      %dma_start3A_25 = tpu.memref_squeeze %dma_start3A_24 : memref<1x640x64xf32, #tpu.memory_space<hbm>> -> memref<640x64xf32, #tpu.memory_space<hbm>>
      %dma_start3A_26 = arith.constant 0 : i32
      %dma_start3A_27 = tpu.memref_slice %arg15[%mul3A_20, %dma_start3A_26] : memref<10240x64xf32, #tpu.memory_space<vmem_shared>> -> memref<640x64xf32, #tpu.memory_space<vmem_shared>>
      tpu.enqueue_dma source(%dma_start3A_27 : memref<640x64xf32, #tpu.memory_space<vmem_shared>>) target(%dma_start3A_25 : memref<640x64xf32, #tpu.memory_space<hbm>>) target_semaphore(%run_scoped3A : memref<!tpu.dma_semaphore, #tpu.memory_space<semaphore_mem>>)
      %dma_wait3A = arith.constant 0 : i32
      %dma_wait3A_28 = tpu.memref_slice %arg6[%arg0, %mul3A_22, %dma_wait3A] : memref<2x10240x64xf32, #tpu.memory_space<hbm>> -> memref<1x640x64xf32, #tpu.memory_space<hbm>>
      %dma_wait3A_29 = tpu.memref_squeeze %dma_wait3A_28 : memref<1x640x64xf32, #tpu.memory_space<hbm>> -> memref<640x64xf32, #tpu.memory_space<hbm>>
      %dma_wait3A_30 = arith.constant 0 : i32
      %dma_wait3A_31 = tpu.memref_slice %arg15[%mul3A_20, %dma_wait3A_30] : memref<10240x64xf32, #tpu.memory_space<vmem_shared>> -> memref<640x64xf32, #tpu.memory_space<vmem_shared>>
      tpu.wait_dma2 semaphore(%run_scoped3A : memref<!tpu.dma_semaphore, #tpu.memory_space<semaphore_mem>>) src(%dma_wait3A_31 : memref<640x64xf32, #tpu.memory_space<vmem_shared>>) dst(%dma_wait3A_29 : memref<640x64xf32, #tpu.memory_space<hbm>>)
      tpu.yield
    }) : () -> ()
    return
  }
}

module attributes {stable_mosaic.version = 14 : i64} {
  func.func @_scale_body(%arg0: i32, %arg1: memref<1024x1xf32, #tpu.memory_space<vmem>>, %arg2: memref<1024x1xf32, #tpu.memory_space<vmem>>, %arg3: memref<1024x128xf32, #tpu.memory_space<vmem>>, %arg4: memref<1024x1xf32, #tpu.memory_space<vmem>>, %arg5: memref<2x1024x64xf32, #tpu.memory_space<vmem>>) attributes {dimension_semantics = [#tpu.dimension_semantics<arbitrary>], iteration_bounds = array<i64: 10>, scalar_prefetch = 0 : i64, scratch_operands = 0 : i64, tpu.core_type = #tpu.core_type<tc>, window_params = [{transform_indices = @transform_0, window_bounds = array<i64: 1024, 1>}, {transform_indices = @transform_1, window_bounds = array<i64: 1024, 1>}, {transform_indices = @transform_2, window_bounds = array<i64: 1024, 128>}, {transform_indices = @transform_3, window_bounds = array<i64: 1024, 1>}, {transform_indices = @transform_4, window_bounds = array<i64: 2, 1024, 64>}]} {
    %get3A = arith.constant 0 : index
    %get3A_0 = arith.constant 0 : index
    %get3A_1 = vector.load %arg1[%get3A, %get3A_0] : memref<1024x1xf32, #tpu.memory_space<vmem>>, vector<1024x1xf32>
    %get3A_2 = arith.constant 0 : index
    %get3A_3 = arith.constant 0 : index
    %get3A_4 = vector.load %arg2[%get3A_2, %get3A_3] : memref<1024x1xf32, #tpu.memory_space<vmem>>, vector<1024x1xf32>
    %add3A = arith.addf %get3A_1, %get3A_4 : vector<1024x1xf32>
    %add3A_5 = arith.constant 1.000000e+00 : f32
    %add3A_6 = vector.broadcast %add3A_5 : f32 to vector<1024x1xf32>
    %add3A_7 = arith.addf %add3A, %add3A_6 : vector<1024x1xf32>
    %rsqrt3A = math.rsqrt %add3A_7 : vector<1024x1xf32>
    %swap3A = arith.constant 0 : index
    %swap3A_8 = arith.constant 0 : index
    %swap3A_9 = vector.load %arg4[%swap3A, %swap3A_8] : memref<1024x1xf32, #tpu.memory_space<vmem>>, vector<1024x1xf32>
    tpu.vector_store %arg4[%swap3A, %swap3A_8], %rsqrt3A {strides = array<i32>} : memref<1024x1xf32, #tpu.memory_space<vmem>>, vector<1024x1xf32>,
    %get3A_10 = arith.constant 0 : index
    %get3A_11 = arith.constant 0 : index
    %get3A_12 = vector.load %arg3[%get3A_10, %get3A_11] : memref<1024x128xf32, #tpu.memory_space<vmem>>, vector<1024x128xf32>
    %mul3A = vector.broadcast %rsqrt3A : vector<1024x1xf32> to vector<1024x128xf32>
    %mul3A_13 = arith.mulf %get3A_12, %mul3A : vector<1024x128xf32>
    %slice3A = vector.extract_strided_slice %mul3A_13 {offsets = [0, 0], sizes = [1024, 64], strides = [1, 1]} : vector<1024x128xf32> to vector<1024x64xf32>
    %swap3A_14 = arith.constant 0 : index
    %swap3A_15 = arith.constant 0 : index
    %swap3A_16 = arith.constant 0 : index
    %swap3A_17 = vector.load %arg5[%swap3A_14, %swap3A_15, %swap3A_16] : memref<2x1024x64xf32, #tpu.memory_space<vmem>>, vector<1x1024x64xf32>
    %swap3A_18 = vector.shape_cast %swap3A_17 : vector<1x1024x64xf32> to vector<1024x64xf32>
    %swap3A_19 = vector.shape_cast %slice3A : vector<1024x64xf32> to vector<1x1024x64xf32>
    tpu.vector_store %arg5[%swap3A_14, %swap3A_15, %swap3A_16], %swap3A_19 {strides = array<i32>} : memref<2x1024x64xf32, #tpu.memory_space<vmem>>, vector<1x1024x64xf32>,
    %slice3A_20 = vector.extract_strided_slice %mul3A_13 {offsets = [0, 64], sizes = [1024, 64], strides = [1, 1]} : vector<1024x128xf32> to vector<1024x64xf32>
    %swap3A_21 = arith.constant 1 : index
    %swap3A_22 = arith.constant 0 : index
    %swap3A_23 = arith.constant 0 : index
    %swap3A_24 = vector.load %arg5[%swap3A_21, %swap3A_22, %swap3A_23] : memref<2x1024x64xf32, #tpu.memory_space<vmem>>, vector<1x1024x64xf32>
    %swap3A_25 = vector.shape_cast %swap3A_24 : vector<1x1024x64xf32> to vector<1024x64xf32>
    %swap3A_26 = vector.shape_cast %slice3A_20 : vector<1024x64xf32> to vector<1x1024x64xf32>
    tpu.vector_store %arg5[%swap3A_21, %swap3A_22, %swap3A_23], %swap3A_26 {strides = array<i32>} : memref<2x1024x64xf32, #tpu.memory_space<vmem>>, vector<1x1024x64xf32>,
    return
  }
  func.func @transform_0(%arg0: i32) -> (i32, i32) {
    %c0_i32 = arith.constant 0 : i32
    %c0_i32_0 = arith.constant 0 : i32
    return %arg0, %c0_i32 : i32, i32
  }
  func.func @transform_1(%arg0: i32) -> (i32, i32) {
    %c0_i32 = arith.constant 0 : i32
    %c0_i32_0 = arith.constant 0 : i32
    return %arg0, %c0_i32 : i32, i32
  }
  func.func @transform_2(%arg0: i32) -> (i32, i32) {
    %c0_i32 = arith.constant 0 : i32
    %c0_i32_0 = arith.constant 0 : i32
    return %arg0, %c0_i32 : i32, i32
  }
  func.func @transform_3(%arg0: i32) -> (i32, i32) {
    %c0_i32 = arith.constant 0 : i32
    %c0_i32_0 = arith.constant 0 : i32
    return %arg0, %c0_i32 : i32, i32
  }
  func.func @transform_4(%arg0: i32) -> (i32, i32, i32) {
    %c0_i32 = arith.constant 0 : i32
    %c0_i32_0 = arith.constant 0 : i32
    %c0_i32_1 = arith.constant 0 : i32
    return %c0_i32, %arg0, %c0_i32_0 : i32, i32, i32
  }
}

module attributes {stable_mosaic.version = 14 : i64} {
  func.func @_combine_body(%arg0: i32, %arg1: memref<1024x128xf32, #tpu.memory_space<vmem>>, %arg2: memref<2x1024x64xf32, #tpu.memory_space<vmem>>, %arg3: memref<2x1024x64xf32, #tpu.memory_space<vmem>>, %arg4: memref<1024x1xf32, #tpu.memory_space<vmem>>, %arg5: memref<1024x128xf32, #tpu.memory_space<vmem>>, %arg6: memref<2x1024x64xf32, #tpu.memory_space<vmem>>) attributes {dimension_semantics = [#tpu.dimension_semantics<arbitrary>], iteration_bounds = array<i64: 10>, scalar_prefetch = 0 : i64, scratch_operands = 0 : i64, tpu.core_type = #tpu.core_type<tc>, window_params = [{transform_indices = @transform_0, window_bounds = array<i64: 1024, 128>}, {transform_indices = @transform_1, window_bounds = array<i64: 2, 1024, 64>}, {transform_indices = @transform_2, window_bounds = array<i64: 2, 1024, 64>}, {transform_indices = @transform_3, window_bounds = array<i64: 1024, 1>}, {transform_indices = @transform_4, window_bounds = array<i64: 1024, 128>}, {transform_indices = @transform_5, window_bounds = array<i64: 2, 1024, 64>}]} {
    %get3A = arith.constant 0 : index
    %get3A_0 = arith.constant 0 : index
    %get3A_1 = vector.load %arg4[%get3A, %get3A_0] : memref<1024x1xf32, #tpu.memory_space<vmem>>, vector<1024x1xf32>
    %get3A_2 = arith.constant 0 : index
    %get3A_3 = arith.constant 0 : index
    %get3A_4 = arith.constant 0 : index
    %get3A_5 = vector.load %arg2[%get3A_2, %get3A_3, %get3A_4] : memref<2x1024x64xf32, #tpu.memory_space<vmem>>, vector<1x1024x64xf32>
    %get3A_6 = vector.shape_cast %get3A_5 : vector<1x1024x64xf32> to vector<1024x64xf32>
    %get3A_7 = arith.constant 1 : index
    %get3A_8 = arith.constant 0 : index
    %get3A_9 = arith.constant 0 : index
    %get3A_10 = vector.load %arg2[%get3A_7, %get3A_8, %get3A_9] : memref<2x1024x64xf32, #tpu.memory_space<vmem>>, vector<1x1024x64xf32>
    %get3A_11 = vector.shape_cast %get3A_10 : vector<1x1024x64xf32> to vector<1024x64xf32>
    %concatenate3A = tpu.concatenate %get3A_6, %get3A_11 in 1 : vector<1024x64xf32>, vector<1024x64xf32> -> vector<1024x128xf32>
    %get3A_12 = arith.constant 0 : index
    %get3A_13 = arith.constant 0 : index
    %get3A_14 = arith.constant 0 : index
    %get3A_15 = vector.load %arg3[%get3A_12, %get3A_13, %get3A_14] : memref<2x1024x64xf32, #tpu.memory_space<vmem>>, vector<1x1024x64xf32>
    %get3A_16 = vector.shape_cast %get3A_15 : vector<1x1024x64xf32> to vector<1024x64xf32>
    %get3A_17 = arith.constant 1 : index
    %get3A_18 = arith.constant 0 : index
    %get3A_19 = arith.constant 0 : index
    %get3A_20 = vector.load %arg3[%get3A_17, %get3A_18, %get3A_19] : memref<2x1024x64xf32, #tpu.memory_space<vmem>>, vector<1x1024x64xf32>
    %get3A_21 = vector.shape_cast %get3A_20 : vector<1x1024x64xf32> to vector<1024x64xf32>
    %concatenate3A_22 = tpu.concatenate %get3A_16, %get3A_21 in 1 : vector<1024x64xf32>, vector<1024x64xf32> -> vector<1024x128xf32>
    %add3A = arith.addf %concatenate3A_22, %concatenate3A : vector<1024x128xf32>
    %mul3A = vector.broadcast %get3A_1 : vector<1024x1xf32> to vector<1024x128xf32>
    %mul3A_23 = arith.mulf %mul3A, %add3A : vector<1024x128xf32>
    %get3A_24 = arith.constant 0 : index
    %get3A_25 = arith.constant 0 : index
    %get3A_26 = vector.load %arg1[%get3A_24, %get3A_25] : memref<1024x128xf32, #tpu.memory_space<vmem>>, vector<1024x128xf32>
    %mul3A_27 = arith.constant -1.635000e+00 : f32
    %mul3A_28 = vector.broadcast %mul3A_27 : f32 to vector<1024x128xf32>
    %mul3A_29 = arith.mulf %mul3A_28, %get3A_26 : vector<1024x128xf32>
    %mul3A_30 = arith.constant 2.635000e+00 : f32
    %mul3A_31 = vector.broadcast %mul3A_30 : f32 to vector<1024x128xf32>
    %mul3A_32 = arith.mulf %mul3A_31, %mul3A_23 : vector<1024x128xf32>
    %add3A_33 = arith.addf %mul3A_29, %mul3A_32 : vector<1024x128xf32>
    %swap3A = arith.constant 0 : index
    %swap3A_34 = arith.constant 0 : index
    %swap3A_35 = vector.load %arg5[%swap3A, %swap3A_34] : memref<1024x128xf32, #tpu.memory_space<vmem>>, vector<1024x128xf32>
    tpu.vector_store %arg5[%swap3A, %swap3A_34], %add3A_33 {strides = array<i32>} : memref<1024x128xf32, #tpu.memory_space<vmem>>, vector<1024x128xf32>,
    %mul3A_36 = vector.broadcast %get3A_1 : vector<1024x1xf32> to vector<1024x128xf32>
    %mul3A_37 = arith.mulf %mul3A_36, %add3A_33 : vector<1024x128xf32>
    %slice3A = vector.extract_strided_slice %mul3A_37 {offsets = [0, 0], sizes = [1024, 64], strides = [1, 1]} : vector<1024x128xf32> to vector<1024x64xf32>
    %swap3A_38 = arith.constant 0 : index
    %swap3A_39 = arith.constant 0 : index
    %swap3A_40 = arith.constant 0 : index
    %swap3A_41 = vector.load %arg6[%swap3A_38, %swap3A_39, %swap3A_40] : memref<2x1024x64xf32, #tpu.memory_space<vmem>>, vector<1x1024x64xf32>
    %swap3A_42 = vector.shape_cast %swap3A_41 : vector<1x1024x64xf32> to vector<1024x64xf32>
    %swap3A_43 = vector.shape_cast %slice3A : vector<1024x64xf32> to vector<1x1024x64xf32>
    tpu.vector_store %arg6[%swap3A_38, %swap3A_39, %swap3A_40], %swap3A_43 {strides = array<i32>} : memref<2x1024x64xf32, #tpu.memory_space<vmem>>, vector<1x1024x64xf32>,
    %slice3A_44 = vector.extract_strided_slice %mul3A_37 {offsets = [0, 64], sizes = [1024, 64], strides = [1, 1]} : vector<1024x128xf32> to vector<1024x64xf32>
    %swap3A_45 = arith.constant 1 : index
    %swap3A_46 = arith.constant 0 : index
    %swap3A_47 = arith.constant 0 : index
    %swap3A_48 = vector.load %arg6[%swap3A_45, %swap3A_46, %swap3A_47] : memref<2x1024x64xf32, #tpu.memory_space<vmem>>, vector<1x1024x64xf32>
    %swap3A_49 = vector.shape_cast %swap3A_48 : vector<1x1024x64xf32> to vector<1024x64xf32>
    %swap3A_50 = vector.shape_cast %slice3A_44 : vector<1024x64xf32> to vector<1x1024x64xf32>
    tpu.vector_store %arg6[%swap3A_45, %swap3A_46, %swap3A_47], %swap3A_50 {strides = array<i32>} : memref<2x1024x64xf32, #tpu.memory_space<vmem>>, vector<1x1024x64xf32>,
    return
  }
  func.func @transform_0(%arg0: i32) -> (i32, i32) {
    %c0_i32 = arith.constant 0 : i32
    %c0_i32_0 = arith.constant 0 : i32
    return %arg0, %c0_i32 : i32, i32
  }
  func.func @transform_1(%arg0: i32) -> (i32, i32, i32) {
    %c0_i32 = arith.constant 0 : i32
    %c0_i32_0 = arith.constant 0 : i32
    %c0_i32_1 = arith.constant 0 : i32
    return %c0_i32, %arg0, %c0_i32_0 : i32, i32, i32
  }
  func.func @transform_2(%arg0: i32) -> (i32, i32, i32) {
    %c0_i32 = arith.constant 0 : i32
    %c0_i32_0 = arith.constant 0 : i32
    %c0_i32_1 = arith.constant 0 : i32
    return %c0_i32, %arg0, %c0_i32_0 : i32, i32, i32
  }
  func.func @transform_3(%arg0: i32) -> (i32, i32) {
    %c0_i32 = arith.constant 0 : i32
    %c0_i32_0 = arith.constant 0 : i32
    return %arg0, %c0_i32 : i32, i32
  }
  func.func @transform_4(%arg0: i32) -> (i32, i32) {
    %c0_i32 = arith.constant 0 : i32
    %c0_i32_0 = arith.constant 0 : i32
    return %arg0, %c0_i32 : i32, i32
  }
  func.func @transform_5(%arg0: i32) -> (i32, i32, i32) {
    %c0_i32 = arith.constant 0 : i32
    %c0_i32_0 = arith.constant 0 : i32
    %c0_i32_1 = arith.constant 0 : i32
    return %c0_i32, %arg0, %c0_i32_0 : i32, i32, i32
  }
}

module attributes {stable_mosaic.version = 14 : i64} {
  func.func @_matmul_body(%arg0: i32, %arg1: memref<1024x128xf32, #tpu.memory_space<vmem>>, %arg2: memref<128x128xf32, #tpu.memory_space<vmem>>, %arg3: memref<1x128xf32, #tpu.memory_space<vmem>>, %arg4: memref<1024x128xf32, #tpu.memory_space<vmem>>) attributes {dimension_semantics = [#tpu.dimension_semantics<arbitrary>], iteration_bounds = array<i64: 10>, scalar_prefetch = 0 : i64, scratch_operands = 0 : i64, tpu.core_type = #tpu.core_type<tc>, window_params = [{transform_indices = @transform_0, window_bounds = array<i64: 1024, 128>}, {pipeline_mode = #tpu.pipeline_mode<synchronous>, transform_indices = @transform_1, window_bounds = array<i64: 128, 128>}, {pipeline_mode = #tpu.pipeline_mode<synchronous>, transform_indices = @transform_2, window_bounds = array<i64: 1, 128>}, {transform_indices = @transform_3, window_bounds = array<i64: 1024, 128>}]} {
    %get3A = arith.constant 0 : index
    %get3A_0 = arith.constant 0 : index
    %get3A_1 = vector.load %arg1[%get3A, %get3A_0] : memref<1024x128xf32, #tpu.memory_space<vmem>>, vector<1024x128xf32>
    %get3A_2 = arith.constant 0 : index
    %get3A_3 = arith.constant 0 : index
    %get3A_4 = vector.load %arg2[%get3A_2, %get3A_3] : memref<128x128xf32, #tpu.memory_space<vmem>>, vector<128x128xf32>
    %dot_general3A = arith.constant dense<0.000000e+00> : vector<1024x128xf32>
    %dot_general3A_5 = tpu.matmul %get3A_1, %get3A_4, %dot_general3A {dimension_numbers = #tpu.dot_dimension_numbers<[1], [0], [0], [1], [0, 0, 1, 1], [], []>, transpose_lhs_hint = false} : vector<1024x128xf32>, vector<128x128xf32>, vector<1024x128xf32> -> vector<1024x128xf32>
    %get3A_6 = arith.constant 0 : index
    %get3A_7 = arith.constant 0 : index
    %get3A_8 = vector.load %arg3[%get3A_6, %get3A_7] : memref<1x128xf32, #tpu.memory_space<vmem>>, vector<1x128xf32>
    %add3A = vector.broadcast %get3A_8 : vector<1x128xf32> to vector<1024x128xf32>
    %add3A_9 = arith.addf %dot_general3A_5, %add3A : vector<1024x128xf32>
    %swap3A = arith.constant 0 : index
    %swap3A_10 = arith.constant 0 : index
    %swap3A_11 = vector.load %arg4[%swap3A, %swap3A_10] : memref<1024x128xf32, #tpu.memory_space<vmem>>, vector<1024x128xf32>
    tpu.vector_store %arg4[%swap3A, %swap3A_10], %add3A_9 {strides = array<i32>} : memref<1024x128xf32, #tpu.memory_space<vmem>>, vector<1024x128xf32>,
    return
  }
  func.func @transform_0(%arg0: i32) -> (i32, i32) {
    %c0_i32 = arith.constant 0 : i32
    %c0_i32_0 = arith.constant 0 : i32
    return %arg0, %c0_i32 : i32, i32
  }
  func.func @transform_1(%arg0: i32) -> (i32, i32) {
    %c0_i32 = arith.constant 0 : i32
    %c0_i32_0 = arith.constant 0 : i32
    %c0_i32_1 = arith.constant 0 : i32
    return %c0_i32, %c0_i32_0 : i32, i32
  }
  func.func @transform_2(%arg0: i32) -> (i32, i32) {
    %c0_i32 = arith.constant 0 : i32
    %c0_i32_0 = arith.constant 0 : i32
    %c0_i32_1 = arith.constant 0 : i32
    return %c0_i32, %c0_i32_0 : i32, i32
  }
  func.func @transform_3(%arg0: i32) -> (i32, i32) {
    %c0_i32 = arith.constant 0 : i32
    %c0_i32_0 = arith.constant 0 : i32
    return %arg0, %c0_i32 : i32, i32
  }
}

</mosaic_0001>

<sc_bundles>
// kernel: closed_call.15.cloned.1.call-start
scs
__scs_entry_jumppad:
0x0: {  	(pc) =	sbr.rel $0x88, $3  }
0x1: {  	(tag) =	ssettag $0x0;
	lr =	simm.s32 $0x1  }
0x2: {  	[smem:$0x3F9D] =	sst lr;
	_ =	strace $0xD0000000  }
0x3: {  	_ = 	snop  }
0x4: {  	_ = 	snop  }
0x5: {  	_ = 	snop  }
0x6: {  	_ = 	snop  }
0x7: {  	_ = 	snop  }
__scs_overlays_trampoline_lowered:
0x8: {  	[smem:$0x3FAC] =	sst s0  }
0x9: {  	[smem:$0x3FAD] =	sst s1  }
0xa: {  	[smem:$0x3FAE] =	sst s2  }
0xb: {  	[smem:$0x3FAF] =	sst s3  }
0xc: {  	[smem:$0x3FB0] =	sst s4  }
0xd: {  	[smem:$0x3FB1] =	sst s5  }
0xe: {  	[smem:$0x3FB2] =	sst s6  }
0xf: {  	[smem:$0x3FB3] =	sst s7  }
0x10: {  	[smem:$0x3FB4] =	sst s8  }
0x11: {  	[smem:$0x3FB5] =	sst s9;
	s0 =	simm.s32 @!p0 $0x0  }
0x12: {  	s1 =	sld [smem:$0x3F9B];
	s0 =	simm.s32 @p0 $0x1  }
0x13: {  	[smem:$0x3FB6] =	sst s0;
	s0 =	simm.s32 @!p1 $0x0  }
0x14: {  	s2 =	sld [smem:$0x3F9A];
	s0 =	simm.s32 @p1 $0x1  }
0x15: {  	[smem:$0x3FB7] =	sst s0;
	s0 =	simm.s32 @!p2 $0x0  }
0x16: {  	s3 =	sld [smem:$0x3FDB];
	s0 =	simm.s32 @p2 $0x1  }
0x17: {  	s4 =	simm.s32 $0x1BF5;
	[smem:$0x3FB9] =	sst s0  }
0x18: {  	s0 =	sld [smem:$0x3F9C];
	_ =	swait.ge [sflag:s4], $0x0  }
0x19: {  	s7 =	sld [smem:$0x3F9D]  }
0x1a: {  	s8 =	sadd.s32 $0xFFFFE003, lr  }
0x1b: {  	s9 =	sadd.s32 $0xFFFFFEF7, lr;
	s5 =	simm.s32 $0xFFFFFFFF;
	p2 =	slt.u32 s8, $0xFFFFF086  }
0x1c: {  	p1 =	slt.u32 s9, $0xF7A;
	s5 =	simm.s32 @!p2 $0x0  }
0x1d: {  	s5 =	simm.s32 @p1 $0x1;
	p0 =	seq.s32 s7, s2  }
0x1e: {  	s7 =	smul.u32 @!p0 $0xF7A, s2;
	p2 =	seq.s32 @!p0 s5, $0x0  }
0x1f: {  	s9 =	smul.u32 $0xF7A, s1;
	s8 =	simm.s32 @!p0 $0x1BF5;
	p2 =	por !p2, p0  }
0x20: {  	[sflag:s8] =	ssyncset.s32 @!p0 $0xFFFFF086;
	s6 =	sadd.s32 @!p0 s3, s7;
	s7 =	simm.s32 @!p0 $0x108  }
0x21: {  	s3 =	sadd.s32 s3, s9;
	s6 =	sadd.s32 @!p0 $0x88, s6;
	s7 =	simm.s32 @p2 $0x1082  }
0x22: {  	[simem:s7], [sflag:s8] =	dma.local @!p0 [hbm:s6], $0xF7A  }
0x23: {  	s9 =	sor.u32 $0xD0000000, s2;
	s6 =	simm.s32 $0x108;
	_ =	swait.ge @!p0 [sflag:s8], $0x0  }
0x24: {  	s3 =	sadd.s32 $0x88, s3;
	s6 =	simm.s32 @!p1 $0x1082;
	[sflag:s4] =	ssyncset.s32 $0xFFFFF086  }
0x25: {  	[simem:s6], [sflag:s4] =	dma.local [hbm:s3], $0xF7A  }
0x26: {  	[smem:$0x3F9D] =	sst s1;
	(tag) =	ssettag s2;
	_ =	strace s9  }
0x27: {  	s1 =	sld [smem:$0x3FAD]  }
0x28: {  	s2 =	sld [smem:$0x3FAE]  }
0x29: {  	s4 =	sld [smem:$0x3FB0]  }
0x2a: {  	p0 =	seq.s32 s5, $0x0;
	s5 =	sld [smem:$0x3FB1]  }
0x2b: {  	s6 =	sld [smem:$0x3FB2]  }
0x2c: {  	s7 =	sld [smem:$0x3FB3]  }
0x2d: {  	s3 =	simm.s32 $0x108;
	s8 =	sld [smem:$0x3FB4]  }
0x2e: {  	s3 =	simm.s32 @!p0 $0x1082;
	s9 =	sld [smem:$0x3FB5]  }
0x2f: {  	lr =	sadd.s32 s0, s3;
	s0 =	sld [smem:$0x3FAC]  }
0x30: {  	s3 =	sld [smem:$0x3FAF]  }
0x31: {  	[smem:$0x3FB8] =	sst s10  }
0x32: {  	s10 =	sld [smem:$0x3FB6];
	_ =	sdelay $0x3  }
0x33: {  	p0 =	seq.s32 s10, $0x1;
	s10 =	sld [smem:$0x3FB8];
	_ =	sdelay $0x3  }
0x34: {  	[smem:$0x3FB8] =	sst s10  }
0x35: {  	s10 =	sld [smem:$0x3FB7];
	_ =	sdelay $0x3  }
0x36: {  	p1 =	seq.s32 s10, $0x1;
	s10 =	sld [smem:$0x3FB8];
	_ =	sdelay $0x3  }
0x37: {  	[smem:$0x3FB8] =	sst s10  }
0x38: {  	s10 =	sld [smem:$0x3FB9]  }
0x39: {  	_ = 	snop;
	(pc) =	sbr.ind lr, $3  }
0x3a: {  	_ = 	snop  }
0x3b: {  	_ = 	snop  }
0x3c: {  	p2 =	seq.s32 s10, $0x1;
	s10 =	sld [smem:$0x3FB8]  }
0x3d: {  	_ =	shalt  }
0x3e: {  	_ =	shalt  }
0x3f: {  	_ =	shalt  }
0x40: {  	_ =	shalt  }
0x41: {  	_ =	shalt  }
0x42: {  	_ =	shalt  }
0x43: {  	_ =	shalt  }
0x44: {  	_ =	shalt  }
0x45: {  	_ =	shalt  }
0x46: {  	_ =	shalt  }
0x47: {  	_ =	shalt  }
0x48: {  	_ =	shalt  }
0x49: {  	_ =	shalt  }
0x4a: {  	_ =	shalt  }
0x4b: {  	_ =	shalt  }
0x4c: {  	_ =	shalt  }
0x4d: {  	_ =	shalt  }
0x4e: {  	_ =	shalt  }
0x4f: {  	_ =	shalt  }
0x50: {  	_ =	shalt  }
0x51: {  	_ =	shalt  }
0x52: {  	_ =	shalt  }
0x53: {  	_ =	shalt  }
0x54: {  	_ =	shalt  }
0x55: {  	_ =	shalt  }
0x56: {  	_ =	shalt  }
0x57: {  	_ =	shalt  }
0x58: {  	_ =	shalt  }
0x59: {  	_ =	shalt  }
0x5a: {  	_ =	shalt  }
0x5b: {  	_ =	shalt  }
0x5c: {  	_ =	shalt  }
0x5d: {  	_ =	shalt  }
0x5e: {  	_ =	shalt  }
0x5f: {  	_ =	shalt  }
0x60: {  	_ =	shalt  }
0x61: {  	_ =	shalt  }
0x62: {  	_ =	shalt  }
0x63: {  	_ =	shalt  }
0x64: {  	_ =	shalt  }
0x65: {  	_ =	shalt  }
0x66: {  	_ =	shalt  }
0x67: {  	_ =	shalt  }
0x68: {  	_ =	shalt  }
0x69: {  	_ =	shalt  }
0x6a: {  	_ =	shalt  }
0x6b: {  	_ =	shalt  }
0x6c: {  	_ =	shalt  }
0x6d: {  	_ =	shalt  }
0x6e: {  	_ =	shalt  }
0x6f: {  	_ =	shalt  }
0x70: {  	_ =	shalt  }
0x71: {  	_ =	shalt  }
0x72: {  	_ =	shalt  }
0x73: {  	_ =	shalt  }
0x74: {  	_ =	shalt  }
0x75: {  	_ =	shalt  }
0x76: {  	_ =	shalt  }
0x77: {  	_ =	shalt  }
0x78: {  	_ =	shalt  }
0x79: {  	_ =	shalt  }
0x7a: {  	_ =	shalt  }
0x7b: {  	_ =	shalt  }
0x7c: {  	_ =	shalt  }
0x7d: {  	_ =	shalt  }
0x7e: {  	_ =	shalt  }
0x7f: {  	_ =	shalt  }
0x80: {  	_ =	shalt  }
0x81: {  	_ =	shalt  }
0x82: {  	_ =	shalt  }
0x83: {  	_ =	shalt  }
0x84: {  	_ =	shalt  }
0x85: {  	_ =	shalt  }
0x86: {  	_ =	shalt  }
0x87: {  	_ =	shalt  }
.Lfunc_end0:
.L_simem_size_0:
called_computation_lowered:
.L_overlay_start_0:
0x88: {  	s2 =	sld [smem:$0x3FD9]  }
0x89: {  	s3 =	sld [smem:$0x3FFE];
	_ =	sdelay $0x1  }
0x8a: {  	s1 =	srdreg.scid  }
0x8b: {  	s0 =	sand.u32 $0x1, s1  }
0x8c: {  	s17 =	sshll.u32 s0, $0xA;
	s2 =	sadd.s32 s3, s2  }
0x8d: {  	s2 =	sadd.s32 s2, s17  }
0x8e: {  	[smem:$0x3FC4] =	sst s2  }
0x8f: {  	_ = 	snop  }
0x90: {  	s2 =	sld [smem:$0x3FD0];
	(tm) =	ssettm $0x1  }
0x91: {  	s18 =	sld [smem:$0x3FFB];
	_ =	sdelay $0x3  }
0x92: {  	_ =	strace s18  }
0x93: {  	s3 =	sld [smem:$0x3FFC];
	_ =	sdelay $0x3  }
0x94: {  	_ =	strace s3  }
0x95: {  	s3 =	sld [smem:$0x3FFD];
	_ =	sdelay $0x3  }
0x96: {  	_ =	strace s3  }
0x97: {  	_ =	strace $0x8FFFFFFF  }
0x98: {  	s19 =	sld [smem:$0x3FDB];
	_ =	sdelay $0x1  }
0x99: {  	s4 =	simm.s32 $_scs_section_size  }
0x9a: {  	s5 =	simm.s32 $_size__tile_overlayer_lowered;
	s6 =	simm.s32 $_tile_overlayer_lowered  }
0x9b: {  	s22 =	simm.s32 $0x1BFF;
	s21 =	sshll.u32 s6, $0x1;
	s3 =	sadd.s32 s4, s19  }
0x9c: {  	s7 =	simm.s32 $0x0;
	s20 =	sshll.u32 s5, $0x1;
	s5 =	sadd.s32 s21, s3  }
0x9d: {  	[timem:s7], [sflag:s22] =	dma.local [hbm:s5], s20  }
0x9e: {  	_ =	swait.ge [sflag:s22], s20  }
0x9f: {  	s4 =	ssub.s32 $0x0, s20;
	[sflag:s22] =	ssyncset.done $0x0  }
0xa0: {  	[sflag:s22] =	ssyncadd.s32 s4;
	_ =	sdelay $0x1  }
0xa1: {  	s23 =	simm.s32 $0x1B8B  }
0xa2: {  	_ =	swait.ge [sflag:s23], $0x1  }
0xa3: {  	[sflag:s23] =	ssyncset.done $0x0  }
0xa4: {  	s25 =	simm.s32 $0x1B8E;
	s24 =	sld [smem:$0x3FFE];
	[sflag:s23] =	ssyncadd.s32 $0xFFFFFFFF  }
0xa5: {  	s26 =	simm.s32 $execute0_lowered;
	[smem:$0x3FD2] =	sst s25  }
0xa6: {  	s5 =	sshll.u32 s26, $0x1;
	_ =	strace $0x80000049;
	[dreg:$0x1] =	wrdreg $0xFFFFFFFF  }
0xa7: {  	s28 =	simm.s32 $_size_execute0_lowered;
	s3 =	sadd.s32 s3, s5;
	[dreg:$0x0] =	wrdreg $0x0  }
0xa8: {  	s5 =	sshll.u32 s28, $0x1;
	[dreg:$0x2] =	wrdreg s3  }
0xa9: {  	[dreg:$0x3] =	wrdreg s5  }
0xaa: {  	[dreg:$0x4] =	wrdreg $0xC0  }
0xab: {  	_ =	task [dreg:s7], $0x5FFFF  }
0xac: {  	[dreg:$0x1] =	wrdreg $0xFFFFFFFF  }
0xad: {  	[dreg:$0x0] =	wrdreg $0x60  }
0xae: {  	[dreg:$0x2] =	wrdreg s24  }
0xaf: {  	[dreg:$0x3] =	wrdreg s2  }
0xb0: {  	[dreg:$0x4] =	wrdreg $0xC4400  }
0xb1: {  	[dreg:$0x5] =	wrdreg $0x9  }
0xb2: {  	_ =	task.clear_ibuf [dreg:s7], $0x6FFFF;
	_ =	strace $0x90000049  }
0xb3: {  	s29 =	simm.s32 $0x9;
	_ =	strace $0x8000004B  }
0xb4: {  	_ =	swait.ge [sflag:s29], $0x1  }
0xb5: {  	[sflag:s29] =	ssyncadd.s32 $0xFFFFFFFF  }
0xb6: {  	_ =	strace $0x9000004B  }
0xb7: {  	_ =	sfence  }
0xb8: {  	s30 =	sld [smem:$0x0];
	_ =	sdelay $0x2  }
0xb9: {  	s31 =	sshll.u32 s1, $0xD;
	s1 =	sshrl.u32 s1, $0x2  }
0xba: {  	s3 =	sand.u32 $0x4000, s31;
	s1 =	sadd.s32 s1, s30  }
0xbb: {  	s0 =	sor.u32 s3, s0;
	s1 =	sshll.u32 s1, $0x11  }
0xbc: {  	s0 =	sor.u32 s1, s0  }
0xbd: {  	s0 =	sadd.s32 $0x8F2B, s0  }
0xbe: {  	[sflag:s0] =	ssyncadd.remote.s32 $0x1  }
0xbf: {  	_ =	sfence.sel $0xFFFF  }
0xc0: {  	[dreg:$0x0] =	wrdreg $0xFFFFFFFF;
	(pc) =	sbr.abs _section_cstart, $3  }
0xc1: {  	[dreg:$0x1] =	wrdreg $0xFFFFFFFF  }
0xc2: {  	_ =	task.clear_ibuf [dreg:s7], $0x2FFFF;
	_ =	strace $0x9FFFFFFF  }
0xc3: {  	(tm) =	ssettm $0x7FFFFFFF  }
tec
execute0_lowered:
.L_overlay_start_1:
0x0: {  	(tag) =	ssettag $0x1  }
0x1: {  	s4 =	rddreg [dreg:$0x0]  }
0x2: {  	s6 =	rddreg [dreg:$0x1]  }
0x3: {  	s1 =	rddreg [dreg:$0x2]  }
0x4: {  	s2 =	srdreg.scid;
	s0 =	rddreg [dreg:$0x3]  }
0x5: {  	s3 =	simm.s32 $0x0;
	s14 =	simm.s32 $0x50;
	s15 =	simm.s32 $0x9C40  }
0x6: {  	s16 =	simm.s32 $0x1;
	s17 =	simm.s32 $0xB040;
	s18 =	simm.s32 $0x2  }
0x7: {  	s19 =	simm.s32 $0x4DD0;
	s20 =	simm.s32 $0x9BA0;
	s5 =	sand.u32 $0x1, s2  }
0x8: {  	s21 =	simm.s32 $0x9BF0;
	s2 =	stileid.u32;
	s7 =	smul.u32 $0xA0000, s5  }
0x9: {  	s22 =	simm.s32 $0x0;
	[smem:$0x7FF] =	sst s3;
	s8 =	smul.u32 $0xA000, s2  }
0xa: {  	_ =	strace $0x8000004A;
	s10 =	smul.u32 $0x9C4, s2;
	s5 =	ssub.s32 $0x2, s5  }
0xb: {  	s31 =	sshll.u32 s2, $0x6;
	s11 =	sshrl.u32 s5, $0x1;
	s9 =	sshrl.u32 s7, $0x3  }
0xc: {  	s7 =	sadd.s32 s8, s7;
	s10 =	sadd.s32 s10, s4;
	s11 =	ssub.s32 s5, s11  }
0xd: {  	s13 =	sadd.s32 s8, s1;
	s30 =	sshrl.u32 s8, $0x3;
	s9 =	sadd.s32 s9, s4  }
0xe: {  	s7 =	sshrl.u32 s7, $0x3;
	s5 =	sadd.s32 $0x7C800, s10;
	s6 =	sadd.s32 s6, s30  }
0xf: {  	s13 =	sshrl.u32 s13, $0x3;
	s12 =	sadd.s32 s7, s4;
	s4 =	sadd.s32 $0x72A00, s10  }
0x10: {  	s7 =	sadd.s32 $0x86600, s9;
	s9 =	smax.u32 s11, $0x1;
	s10 =	simm.s32 $0x3  }
0x11: {  	s11 =	simm.s32 $0x4E20;
	s8 =	sadd.s32 $0xAE600, s12;
	s12 =	sor.u32 $0x1C03, s31  }
.LBB2_1:
0x12: {  	[tilespmem:s3], [sflag:$0x3] =	stream.linear.gather [hbm4b:s4+s3], $0x4E20, $0x38;
	[tilespmem:$0x16440] =	vst v63  }
0x13: {  	_ =	swait.ge [sflag:s10], $0x4E20  }
0x14: {  	[sflag:s10] =	ssyncset.done $0x0  }
0x15: {  	[sflag:s10] =	ssyncadd.s32 $0xFFFFB1E0  }
0x16: {  	[tilespmem:s11], [sflag:$0x3] =	stream.linear.gather [hbm4b:s5+s3], $0x4E20, $0x38;
	[tilespmem:$0x16440] =	vst v63  }
0x17: {  	_ =	swait.ge [sflag:s10], $0x4E20  }
0x18: {  	[sflag:s10] =	ssyncset.done $0x0  }
0x19: {  	[sflag:s10] =	ssyncadd.s32 $0xFFFFB1E0  }
0x1a: {  	[spmem:s13], [sflag:s12] =	dma.local [hbm:s6], $0x1400  }
0x1b: {  	_ =	swait.ge [sflag:s10], $0x1400  }
0x1c: {  	[sflag:s10] =	ssyncset.done $0x0  }
0x1d: {  	[sflag:s10] =	ssyncadd.s32 $0xFFFFEC00  }
0x1e: {  	[bflag:$0x0] =	sbarrier.arrive $0xFFFF  }
0x1f: {  	[tilespmem:s15], [sflag:$0x1] =	stream.indirect.gather [hbm4b:s7+s14], $0x40, s3, s14, $0xb8;
	[tilespmem:$0x16440] =	vst v63  }
0x20: {  	_ =	swait.ge [sflag:s16], $0x1400  }
0x21: {  	[sflag:s16] =	ssyncset.done $0x0  }
0x22: {  	s23 =	simm.s32 $0x50;
	[sflag:s16] =	ssyncadd.s32 $0xFFFFEC00  }
0x23: {  	[tilespmem:s17], [sflag:$0x2] =	stream.indirect.gather [hbm4b:s7+s14], $0x40, s23, s14, $0xb8;
	[tilespmem:$0x16440] =	vst v63  }
0x24: {  	s29 =	simm.s32 $0x4E20  }
0x25: {  	[spmem:s1] =	stream.indirect.scatter.add.f32 [tilespmem:s15], [sflag:$0x3], $0x40, s29, s14, $0xb8;
	[tilespmem:$0x16440] =	vst v63  }
0x26: {  	_ =	swait.ge [sflag:s10], $0x1400  }
0x27: {  	[sflag:s10] =	ssyncset.done $0x0  }
0x28: {  	[sflag:s10] =	ssyncadd.s32 $0xFFFFEC00  }
0x29: {  	_ =	swait.ge [sflag:s18], $0x1400  }
0x2a: {  	[sflag:s18] =	ssyncset.done $0x0  }
0x2b: {  	s30 =	simm.s32 $0xA0;
	[sflag:s18] =	ssyncadd.s32 $0xFFFFEC00  }
0x2c: {  	[tilespmem:s15], [sflag:$0x1] =	stream.indirect.gather [hbm4b:s7+s14], $0x40, s30, s14, $0xb8;
	[tilespmem:$0x16440] =	vst v63  }
0x2d: {  	s31 =	simm.s32 $0x4E70  }
0x2e: {  	[spmem:s1] =	stream.indirect.scatter.add.f32 [tilespmem:s17], [sflag:$0x3], $0x40, s31, s14, $0xb8;
	[tilespmem:$0x16440] =	vst v63  }
0x2f: {  	_ =	swait.ge [sflag:s10], $0x1400  }
0x30: {  	s23 =	simm.s32 $0x280;
	[sflag:s10] =	ssyncset.done $0x0  }
.LBB2_2:
0x31: {  	p0 =	sne.s32 s23, $0x13380  }
0x32: {  	[sflag:s10] =	ssyncadd.s32 $0xFFFFEC00;
	s24 =	smov.u32 s23;
	s23 =	sadd.s32 $0x280, s23  }
0x33: {  	_ = 	snop  }
0x34: {  	_ =	swait.ge [sflag:s16], $0x1400  }
0x35: {  	s24 =	sshra.s32 s24, $0x2;
	[sflag:s16] =	ssyncset.done $0x0  }
0x36: {  	s25 =	sadd.s32 $0x50, s24;
	[sflag:s16] =	ssyncadd.s32 $0xFFFFEC00  }
0x37: {  	[tilespmem:s17], [sflag:$0x2] =	stream.indirect.gather [hbm4b:s7+s14], $0x40, s25, s14, $0xb8;
	[tilespmem:$0x16440] =	vst v63  }
0x38: {  	s25 =	sadd.s32 $0x4E20, s24  }
0x39: {  	[spmem:s1] =	stream.indirect.scatter.add.f32 [tilespmem:s15], [sflag:$0x3], $0x40, s25, s14, $0xb8;
	[tilespmem:$0x16440] =	vst v63  }
0x3a: {  	_ =	swait.ge [sflag:s10], $0x1400  }
0x3b: {  	[sflag:s10] =	ssyncset.done $0x0  }
0x3c: {  	[sflag:s10] =	ssyncadd.s32 $0xFFFFEC00  }
0x3d: {  	_ =	swait.ge [sflag:s18], $0x1400  }
0x3e: {  	[sflag:s18] =	ssyncset.done $0x0  }
0x3f: {  	s25 =	sadd.s32 $0xA0, s24;
	[sflag:s18] =	ssyncadd.s32 $0xFFFFEC00  }
0x40: {  	[tilespmem:s15], [sflag:$0x1] =	stream.indirect.gather [hbm4b:s7+s14], $0x40, s25, s14, $0xb8;
	[tilespmem:$0x16440] =	vst v63  }
.Ltmp0:
0x41: {  	_ = 	snop;
	(pc) =	sbr.rel @p0 .LBB2_2-.Ltmp0, $4  }
0x42: {  	s24 =	sadd.s32 $0x4E70, s24  }
0x43: {  	[spmem:s1] =	stream.indirect.scatter.add.f32 [tilespmem:s17], [sflag:$0x3], $0x40, s24, s14, $0xb8;
	[tilespmem:$0x16440] =	vst v63  }
0x44: {  	_ =	swait.ge [sflag:s10], $0x1400  }
0x45: {  	[sflag:s10] =	ssyncset.done $0x0  }
0x46: {  	[sflag:s10] =	ssyncadd.s32 $0xFFFFEC00  }
0x47: {  	_ =	swait.ge [sflag:s16], $0x1400  }
0x48: {  	[sflag:s16] =	ssyncset.done $0x0  }
0x49: {  	[sflag:s16] =	ssyncadd.s32 $0xFFFFEC00  }
0x4a: {  	[tilespmem:s17], [sflag:$0x2] =	stream.indirect.gather [hbm4b:s7+s14], $0x40, s19, s14, $0xb8;
	[tilespmem:$0x16440] =	vst v63  }
0x4b: {  	_ = 	snop  }
0x4c: {  	[spmem:s1] =	stream.indirect.scatter.add.f32 [tilespmem:s15], [sflag:$0x3], $0x40, s20, s14, $0xb8;
	[tilespmem:$0x16440] =	vst v63  }
0x4d: {  	_ =	swait.ge [sflag:s10], $0x1400  }
0x4e: {  	[sflag:s10] =	ssyncset.done $0x0  }
0x4f: {  	[sflag:s10] =	ssyncadd.s32 $0xFFFFEC00  }
0x50: {  	_ =	swait.ge [sflag:s18], $0x1400  }
0x51: {  	[sflag:s18] =	ssyncset.done $0x0  }
0x52: {  	[sflag:s18] =	ssyncadd.s32 $0xFFFFEC00  }
0x53: {  	[spmem:s1] =	stream.indirect.scatter.add.f32 [tilespmem:s17], [sflag:$0x3], $0x40, s21, s14, $0xb8;
	[tilespmem:$0x16440] =	vst v63  }
0x54: {  	_ =	swait.ge [sflag:s10], $0x1400  }
0x55: {  	s22 =	sadd.s32 $0x1, s22;
	[sflag:s10] =	ssyncset.done $0x0  }
0x56: {  	p0 =	sne.s32 s22, s9;
	[sflag:s10] =	ssyncadd.s32 $0xFFFFEC00  }
.Ltmp1:
0x57: {  	[bflag:$0x0] =	sbarrier.arrive $0xFFFF;
	(pc) =	sbr.rel @p0 .LBB2_1-.Ltmp1, $4  }
0x58: {  	[hbm:s8], [sflag:s12] =	dma.local [spmem:s13], $0x1400  }
0x59: {  	_ =	swait.ge [sflag:s10], $0x1400  }
0x5a: {  	[sflag:s10] =	ssyncset.done $0x0  }
0x5b: {  	[sflag:s10] =	ssyncadd.s32 $0xFFFFEC00  }
0x5c: {  	_ =	sfence.sel $0x180000  }
0x5d: {  	[bflag:$0x0] =	sbarrier.arrive $0xFFFF  }
0x5e: {  	p0 =	sne.s32 s2, $0x0;
	_ =	strace $0x9000004A  }
0x5f: {  	s0 =	sadd.s32 @!p0 $0x100000, s0;
	[bflag:$0x2] =	sbarrier.arrive $0xFFFF  }
0x60: {  	[sflag:s0] =	ssyncadd.tile.s32 @!p0 $0x1;
	_ =	shalt  }
.Lfunc_end2:
_tile_overlayer_lowered:
.L_overlay_start_2:
0x61: {  	(tag) =	ssettag $0x2  }
0x62: {  	s0 =	rddreg [dreg:$0x0];
	s2 =	stileid.u32  }
0x63: {  	s1 =	rddreg [dreg:$0x1];
	p0 =	sne.s32 s2, $0x0  }
0x64: {  	s3 =	rddreg [dreg:$0x2];
	[bflag:$0x3] =	sbarrier.arrive $0xFFFF;
	s2 =	simm.s32 @!p0 $0x1C03  }
0x65: {  	[timem:s3], [sflag:s2] =	dma.local @!p0 [hbm:s0], s1  }
0x66: {  	s0 =	simm.s32 @!p0 $0x3  }
0x67: {  	_ =	swait.ge @!p0 [sflag:s0], s1  }
0x68: {  	s1 =	ssub.s32 @!p0 $0x0, s1;
	[sflag:s0] =	ssyncset.done @!p0 $0x0  }
0x69: {  	[sflag:s0] =	ssyncadd.s32 @!p0 s1  }
0x6a: {  	[bflag:$0x3] =	sbarrier.arrive $0xFFFF  }
0x6b: {  	_ =	shalt  }

// kernel: kernel.5.cloned.1.call-start
scs
__scs_entry_jumppad:
0x0: {  	(pc) =	sbr.rel $0x88, $3  }
0x1: {  	(tag) =	ssettag $0x0;
	lr =	simm.s32 $0x1  }
0x2: {  	[smem:$0x3F9D] =	sst lr;
	_ =	strace $0xD0000000  }
0x3: {  	_ = 	snop  }
0x4: {  	_ = 	snop  }
0x5: {  	_ = 	snop  }
0x6: {  	_ = 	snop  }
0x7: {  	_ = 	snop  }
__scs_overlays_trampoline_lowered:
0x8: {  	[smem:$0x3FAC] =	sst s0  }
0x9: {  	[smem:$0x3FAD] =	sst s1  }
0xa: {  	[smem:$0x3FAE] =	sst s2  }
0xb: {  	[smem:$0x3FAF] =	sst s3  }
0xc: {  	[smem:$0x3FB0] =	sst s4  }
0xd: {  	[smem:$0x3FB1] =	sst s5  }
0xe: {  	[smem:$0x3FB2] =	sst s6  }
0xf: {  	[smem:$0x3FB3] =	sst s7  }
0x10: {  	[smem:$0x3FB4] =	sst s8  }
0x11: {  	[smem:$0x3FB5] =	sst s9;
	s0 =	simm.s32 @!p0 $0x0  }
0x12: {  	s1 =	sld [smem:$0x3F9B];
	s0 =	simm.s32 @p0 $0x1  }
0x13: {  	[smem:$0x3FB6] =	sst s0;
	s0 =	simm.s32 @!p1 $0x0  }
0x14: {  	s2 =	sld [smem:$0x3F9A];
	s0 =	simm.s32 @p1 $0x1  }
0x15: {  	[smem:$0x3FB7] =	sst s0;
	s0 =	simm.s32 @!p2 $0x0  }
0x16: {  	s3 =	sld [smem:$0x3FDB];
	s0 =	simm.s32 @p2 $0x1  }
0x17: {  	s4 =	simm.s32 $0x1BF5;
	[smem:$0x3FB9] =	sst s0  }
0x18: {  	s0 =	sld [smem:$0x3F9C];
	_ =	swait.ge [sflag:s4], $0x0  }
0x19: {  	s7 =	sld [smem:$0x3F9D]  }
0x1a: {  	s8 =	sadd.s32 $0xFFFFE003, lr  }
0x1b: {  	s9 =	sadd.s32 $0xFFFFFEF7, lr;
	s5 =	simm.s32 $0xFFFFFFFF;
	p2 =	slt.u32 s8, $0xFFFFF086  }
0x1c: {  	p1 =	slt.u32 s9, $0xF7A;
	s5 =	simm.s32 @!p2 $0x0  }
0x1d: {  	s5 =	simm.s32 @p1 $0x1;
	p0 =	seq.s32 s7, s2  }
0x1e: {  	s7 =	smul.u32 @!p0 $0xF7A, s2;
	p2 =	seq.s32 @!p0 s5, $0x0  }
0x1f: {  	s9 =	smul.u32 $0xF7A, s1;
	s8 =	simm.s32 @!p0 $0x1BF5;
	p2 =	por !p2, p0  }
0x20: {  	[sflag:s8] =	ssyncset.s32 @!p0 $0xFFFFF086;
	s6 =	sadd.s32 @!p0 s3, s7;
	s7 =	simm.s32 @!p0 $0x108  }
0x21: {  	s3 =	sadd.s32 s3, s9;
	s6 =	sadd.s32 @!p0 $0x88, s6;
	s7 =	simm.s32 @p2 $0x1082  }
0x22: {  	[simem:s7], [sflag:s8] =	dma.local @!p0 [hbm:s6], $0xF7A  }
0x23: {  	s9 =	sor.u32 $0xD0000000, s2;
	s6 =	simm.s32 $0x108;
	_ =	swait.ge @!p0 [sflag:s8], $0x0  }
0x24: {  	s3 =	sadd.s32 $0x88, s3;
	s6 =	simm.s32 @!p1 $0x1082;
	[sflag:s4] =	ssyncset.s32 $0xFFFFF086  }
0x25: {  	[simem:s6], [sflag:s4] =	dma.local [hbm:s3], $0xF7A  }
0x26: {  	[smem:$0x3F9D] =	sst s1;
	(tag) =	ssettag s2;
	_ =	strace s9  }
0x27: {  	s1 =	sld [smem:$0x3FAD]  }
0x28: {  	s2 =	sld [smem:$0x3FAE]  }
0x29: {  	s4 =	sld [smem:$0x3FB0]  }
0x2a: {  	p0 =	seq.s32 s5, $0x0;
	s5 =	sld [smem:$0x3FB1]  }
0x2b: {  	s6 =	sld [smem:$0x3FB2]  }
0x2c: {  	s7 =	sld [smem:$0x3FB3]  }
0x2d: {  	s3 =	simm.s32 $0x108;
	s8 =	sld [smem:$0x3FB4]  }
0x2e: {  	s3 =	simm.s32 @!p0 $0x1082;
	s9 =	sld [smem:$0x3FB5]  }
0x2f: {  	lr =	sadd.s32 s0, s3;
	s0 =	sld [smem:$0x3FAC]  }
0x30: {  	s3 =	sld [smem:$0x3FAF]  }
0x31: {  	[smem:$0x3FB8] =	sst s10  }
0x32: {  	s10 =	sld [smem:$0x3FB6];
	_ =	sdelay $0x3  }
0x33: {  	p0 =	seq.s32 s10, $0x1;
	s10 =	sld [smem:$0x3FB8];
	_ =	sdelay $0x3  }
0x34: {  	[smem:$0x3FB8] =	sst s10  }
0x35: {  	s10 =	sld [smem:$0x3FB7];
	_ =	sdelay $0x3  }
0x36: {  	p1 =	seq.s32 s10, $0x1;
	s10 =	sld [smem:$0x3FB8];
	_ =	sdelay $0x3  }
0x37: {  	[smem:$0x3FB8] =	sst s10  }
0x38: {  	s10 =	sld [smem:$0x3FB9]  }
0x39: {  	_ = 	snop;
	(pc) =	sbr.ind lr, $3  }
0x3a: {  	_ = 	snop  }
0x3b: {  	_ = 	snop  }
0x3c: {  	p2 =	seq.s32 s10, $0x1;
	s10 =	sld [smem:$0x3FB8]  }
0x3d: {  	_ =	shalt  }
0x3e: {  	_ =	shalt  }
0x3f: {  	_ =	shalt  }
0x40: {  	_ =	shalt  }
0x41: {  	_ =	shalt  }
0x42: {  	_ =	shalt  }
0x43: {  	_ =	shalt  }
0x44: {  	_ =	shalt  }
0x45: {  	_ =	shalt  }
0x46: {  	_ =	shalt  }
0x47: {  	_ =	shalt  }
0x48: {  	_ =	shalt  }
0x49: {  	_ =	shalt  }
0x4a: {  	_ =	shalt  }
0x4b: {  	_ =	shalt  }
0x4c: {  	_ =	shalt  }
0x4d: {  	_ =	shalt  }
0x4e: {  	_ =	shalt  }
0x4f: {  	_ =	shalt  }
0x50: {  	_ =	shalt  }
0x51: {  	_ =	shalt  }
0x52: {  	_ =	shalt  }
0x53: {  	_ =	shalt  }
0x54: {  	_ =	shalt  }
0x55: {  	_ =	shalt  }
0x56: {  	_ =	shalt  }
0x57: {  	_ =	shalt  }
0x58: {  	_ =	shalt  }
0x59: {  	_ =	shalt  }
0x5a: {  	_ =	shalt  }
0x5b: {  	_ =	shalt  }
0x5c: {  	_ =	shalt  }
0x5d: {  	_ =	shalt  }
0x5e: {  	_ =	shalt  }
0x5f: {  	_ =	shalt  }
0x60: {  	_ =	shalt  }
0x61: {  	_ =	shalt  }
0x62: {  	_ =	shalt  }
0x63: {  	_ =	shalt  }
0x64: {  	_ =	shalt  }
0x65: {  	_ =	shalt  }
0x66: {  	_ =	shalt  }
0x67: {  	_ =	shalt  }
0x68: {  	_ =	shalt  }
0x69: {  	_ =	shalt  }
0x6a: {  	_ =	shalt  }
0x6b: {  	_ =	shalt  }
0x6c: {  	_ =	shalt  }
0x6d: {  	_ =	shalt  }
0x6e: {  	_ =	shalt  }
0x6f: {  	_ =	shalt  }
0x70: {  	_ =	shalt  }
0x71: {  	_ =	shalt  }
0x72: {  	_ =	shalt  }
0x73: {  	_ =	shalt  }
0x74: {  	_ =	shalt  }
0x75: {  	_ =	shalt  }
0x76: {  	_ =	shalt  }
0x77: {  	_ =	shalt  }
0x78: {  	_ =	shalt  }
0x79: {  	_ =	shalt  }
0x7a: {  	_ =	shalt  }
0x7b: {  	_ =	shalt  }
0x7c: {  	_ =	shalt  }
0x7d: {  	_ =	shalt  }
0x7e: {  	_ =	shalt  }
0x7f: {  	_ =	shalt  }
0x80: {  	_ =	shalt  }
0x81: {  	_ =	shalt  }
0x82: {  	_ =	shalt  }
0x83: {  	_ =	shalt  }
0x84: {  	_ =	shalt  }
0x85: {  	_ =	shalt  }
0x86: {  	_ =	shalt  }
0x87: {  	_ =	shalt  }
.Lfunc_end0:
.L_simem_size_0:
called_computation.1_lowered:
.L_overlay_start_0:
0x88: {  	s2 =	sld [smem:$0x3FD9]  }
0x89: {  	s3 =	sld [smem:$0x3FFE];
	_ =	sdelay $0x1  }
0x8a: {  	s1 =	srdreg.scid  }
0x8b: {  	s0 =	sand.u32 $0x1, s1  }
0x8c: {  	s17 =	sshll.u32 s0, $0xA;
	s2 =	sadd.s32 s3, s2  }
0x8d: {  	s2 =	sadd.s32 s2, s17  }
0x8e: {  	[smem:$0x3FC4] =	sst s2  }
0x8f: {  	_ = 	snop  }
0x90: {  	s2 =	sld [smem:$0x3FD0];
	(tm) =	ssettm $0x1  }
0x91: {  	s18 =	sld [smem:$0x3FFB];
	_ =	sdelay $0x3  }
0x92: {  	_ =	strace s18  }
0x93: {  	s3 =	sld [smem:$0x3FFC];
	_ =	sdelay $0x3  }
0x94: {  	_ =	strace s3  }
0x95: {  	s3 =	sld [smem:$0x3FFD];
	_ =	sdelay $0x3  }
0x96: {  	_ =	strace s3  }
0x97: {  	_ =	strace $0x8FFFFFFF  }
0x98: {  	s19 =	sld [smem:$0x3FDB];
	_ =	sdelay $0x1  }
0x99: {  	s4 =	simm.s32 $_scs_section_size  }
0x9a: {  	s5 =	simm.s32 $_size__tile_overlayer_lowered;
	s6 =	simm.s32 $_tile_overlayer_lowered  }
0x9b: {  	s22 =	simm.s32 $0x1BFF;
	s21 =	sshll.u32 s6, $0x1;
	s3 =	sadd.s32 s4, s19  }
0x9c: {  	s7 =	simm.s32 $0x0;
	s20 =	sshll.u32 s5, $0x1;
	s5 =	sadd.s32 s21, s3  }
0x9d: {  	[timem:s7], [sflag:s22] =	dma.local [hbm:s5], s20  }
0x9e: {  	_ =	swait.ge [sflag:s22], s20  }
0x9f: {  	s4 =	ssub.s32 $0x0, s20;
	[sflag:s22] =	ssyncset.done $0x0  }
0xa0: {  	[sflag:s22] =	ssyncadd.s32 s4;
	_ =	sdelay $0x1  }
0xa1: {  	s23 =	simm.s32 $0x1B8B  }
0xa2: {  	_ =	swait.ge [sflag:s23], $0x1  }
0xa3: {  	[sflag:s23] =	ssyncset.done $0x0  }
0xa4: {  	s25 =	simm.s32 $0x1B8E;
	s24 =	sld [smem:$0x3FFE];
	[sflag:s23] =	ssyncadd.s32 $0xFFFFFFFF  }
0xa5: {  	s26 =	simm.s32 $execute0_lowered;
	[smem:$0x3FD2] =	sst s25  }
0xa6: {  	s5 =	sshll.u32 s26, $0x1;
	_ =	strace $0x80000046;
	[dreg:$0x1] =	wrdreg $0xFFFFFFFF  }
0xa7: {  	s28 =	simm.s32 $_size_execute0_lowered;
	s3 =	sadd.s32 s3, s5;
	[dreg:$0x0] =	wrdreg $0x0  }
0xa8: {  	s5 =	sshll.u32 s28, $0x1;
	[dreg:$0x2] =	wrdreg s3  }
0xa9: {  	[dreg:$0x3] =	wrdreg s5  }
0xaa: {  	[dreg:$0x4] =	wrdreg $0xC0  }
0xab: {  	_ =	task [dreg:s7], $0x5FFFF  }
0xac: {  	[dreg:$0x1] =	wrdreg $0xFFFFFFFF  }
0xad: {  	[dreg:$0x0] =	wrdreg $0x60  }
0xae: {  	[dreg:$0x2] =	wrdreg s2  }
0xaf: {  	[dreg:$0x3] =	wrdreg s24  }
0xb0: {  	[dreg:$0x4] =	wrdreg $0x68800  }
0xb1: {  	[dreg:$0x5] =	wrdreg $0x9  }
0xb2: {  	_ =	task.clear_ibuf [dreg:s7], $0x6FFFF;
	_ =	strace $0x90000046  }
0xb3: {  	s29 =	simm.s32 $0x9;
	_ =	strace $0x80000048  }
0xb4: {  	_ =	swait.ge [sflag:s29], $0x1  }
0xb5: {  	[sflag:s29] =	ssyncadd.s32 $0xFFFFFFFF  }
0xb6: {  	_ =	strace $0x90000048  }
0xb7: {  	_ =	sfence  }
0xb8: {  	s30 =	sld [smem:$0x0];
	_ =	sdelay $0x2  }
0xb9: {  	s31 =	sshll.u32 s1, $0xD;
	s1 =	sshrl.u32 s1, $0x2  }
0xba: {  	s3 =	sand.u32 $0x4000, s31;
	s1 =	sadd.s32 s1, s30  }
0xbb: {  	s0 =	sor.u32 s3, s0;
	s1 =	sshll.u32 s1, $0x11  }
0xbc: {  	s0 =	sor.u32 s1, s0  }
0xbd: {  	s0 =	sadd.s32 $0x8F2B, s0  }
0xbe: {  	[sflag:s0] =	ssyncadd.remote.s32 $0x1  }
0xbf: {  	_ =	sfence.sel $0xFFFF  }
0xc0: {  	[dreg:$0x0] =	wrdreg $0xFFFFFFFF;
	(pc) =	sbr.abs _section_cstart, $3  }
0xc1: {  	[dreg:$0x1] =	wrdreg $0xFFFFFFFF  }
0xc2: {  	_ =	task.clear_ibuf [dreg:s7], $0x2FFFF;
	_ =	strace $0x9FFFFFFF  }
0xc3: {  	(tm) =	ssettm $0x7FFFFFFF  }
tec
execute0_lowered:
.L_overlay_start_1:
0x0: {  	(tag) =	ssettag $0x1  }
0x1: {  	s3 =	rddreg [dreg:$0x0]  }
0x2: {  	s4 =	rddreg [dreg:$0x1];
	s0 =	srdreg.scid  }
0x3: {  	s1 =	rddreg [dreg:$0x2];
	s10 =	stileid.u32  }
0x4: {  	s2 =	simm.s32 $0x0;
	s5 =	sand.u32 $0x1, s0;
	s0 =	rddreg [dreg:$0x3]  }
0x5: {  	s12 =	simm.s32 $0x0;
	s7 =	sshll.u32 s10, $0xA;
	[smem:$0x7FF] =	sst s2  }
0x6: {  	s8 =	sshll.u32 s10, $0xB;
	p0 =	sne.s32 s10, $0x0;
	p1 =	sgt.u32 s10, $0x9  }
0x7: {  	s6 =	smul.u32 $0x2800, s5;
	_ =	strace $0x80000047;
	s31 =	ssub.s32 $0x2, s5  }
0x8: {  	s5 =	sshll.u32 s5, $0xF;
	s3 =	sadd.s32 s3, s8;
	s11 =	sadd.s32 s7, s1  }
0x9: {  	s8 =	simm.s32 $0x50;
	s10 =	sshll.u32 @!p1 s10, $0x6;
	s9 =	sshrl.u32 s31, $0x1  }
0xa: {  	s3 =	sadd.s32 s5, s3;
	s10 =	sor.u32 @!p1 $0x1C01, s10;
	s6 =	sadd.s32 s7, s6  }
0xb: {  	v0 =	vlaneseq.u32;
	s11 =	sshrl.u32 @!p1 s11, $0x3;
	s7 =	simm.s32 $0x4000;
	s6 =	sshrl.u32 s6, $0x3  }
0xc: {  	v1 =	vimm.f32 $0.0e+00;
	v6 =	vimm.f32 $1.000000000e+00;
	v2 =	vor.u32 $0x10, v0;
	s4 =	sadd.s32 s6, s4;
	s6 =	ssub.s32 s31, s9;
	s9 =	simm.s32 $0x6800  }
0xd: {  	v3 =	vor.u32 $0x20, v0;
	v4 =	vor.u32 $0x30, v0;
	v5 =	vor.u32 $0x40, v0;
	s4 =	sadd.s32 $0x1E00, s4;
	s5 =	smax.u32 s6, $0x1;
	s6 =	simm.s32 $0x1  }
.LBB2_1:
0xe: {  	[tilespmem:s2], [sflag:$0x1] =	stream.linear.gather [hbm4b:s3+s2], $0x3E80, $0x38;
	[tilespmem:$0x6B00] =	vst v63  }
0xf: {  	_ =	swait.ge [sflag:s6], $0x3E80  }
0x10: {  	[sflag:s6] =	ssyncset.done $0x0  }
0x11: {  	s13 =	simm.s32 $0x0;
	s14 =	simm.s32 $0x200;
	[sflag:s6] =	ssyncadd.s32 $0xFFFFC180  }
.LBB2_2:
0x12: {  	p2 =	sne.s32 s14, $0x9E00;
	[tilespmem:s13+$0x4070] =	vst v1  }
0x13: {  	[tilespmem:s13+$0x4000] =	vst v1  }
0x14: {  	[tilespmem:s13+$0x4010] =	vst v1  }
.Ltmp0:
0x15: {  	[tilespmem:s13+$0x4020] =	vst v1;
	(pc) =	sbr.rel @p2 .LBB2_2-.Ltmp0, $4  }
0x16: {  	[tilespmem:s13+$0x4030] =	vst v1  }
0x17: {  	[tilespmem:s13+$0x4040] =	vst v1  }
0x18: {  	[tilespmem:s13+$0x4050] =	vst v1  }
0x19: {  	[tilespmem:s13+$0x4060] =	vst v1;
	s13 =	sshra.s32 s14, $0x2;
	s14 =	sadd.s32 $0x200, s14  }
0x1a: {  	[tilespmem:s13+$0x4070] =	vst v1  }
0x1b: {  	[tilespmem:s13+$0x4000] =	vst v1  }
0x1c: {  	[tilespmem:s13+$0x4010] =	vst v1  }
0x1d: {  	[tilespmem:s13+$0x4020] =	vst v1  }
0x1e: {  	[tilespmem:s13+$0x4030] =	vst v1  }
0x1f: {  	[tilespmem:s13+$0x4040] =	vst v1  }
0x20: {  	[tilespmem:s13+$0x4050] =	vst v1  }
0x21: {  	[tilespmem:s13+$0x4060] =	vst v1  }
0x22: {  	[tilespmem:$0x6800] =	vst v0  }
0x23: {  	[tilespmem:$0x6810] =	vst v2  }
0x24: {  	[tilespmem:$0x6820] =	vst v3  }
0x25: {  	[tilespmem:$0x6830] =	vst v4  }
0x26: {  	s13 =	simm.s32 @!p0 $0x4000;
	[tilespmem:$0x6840] =	vst v5  }
0x27: {  	[spmem:s1] =	stream.linear.scatter @!p0 [tilespmem:s13], [sflag:$0x1], $0x2800, $0x38;
	[tilespmem:$0x6B00] =	vst v63  }
0x28: {  	s13 =	simm.s32 @!p0 $0x1  }
0x29: {  	_ =	swait.ge @!p0 [sflag:s13], $0x2800  }
0x2a: {  	[sflag:s13] =	ssyncset.done @!p0 $0x0  }
0x2b: {  	[sflag:s13] =	ssyncadd.s32 @!p0 $0xFFFFD800  }
0x2c: {  	s13 =	simm.s32 $0x0;
	[bflag:$0x0] =	sbarrier.arrive $0xFFFF  }
.LBB2_4:
0x2d: {  	s14 =	sshra.s32 s13, $0x2  }
0x2e: {  	v7 =	vld [tilespmem:s14+$0x0];
	_ =	sdelay $0x7  }
0x2f: {  	[tilespmem:v7+s7+$0x0] =	vst.idx.add.f32.msk $0xffff, v6  }
0x30: {  	v7 =	vld [tilespmem:s14+$0x10];
	_ =	sdelay $0x7  }
0x31: {  	[tilespmem:v7+s7+$0x0] =	vst.idx.add.f32.msk $0xffff, v6  }
0x32: {  	v7 =	vld [tilespmem:s14+$0x20];
	_ =	sdelay $0x7  }
0x33: {  	[tilespmem:v7+s7+$0x0] =	vst.idx.add.f32.msk $0xffff, v6  }
0x34: {  	v7 =	vld [tilespmem:s14+$0x30];
	_ =	sdelay $0x7  }
0x35: {  	[tilespmem:v7+s7+$0x0] =	vst.idx.add.f32.msk $0xffff, v6  }
0x36: {  	v7 =	vld [tilespmem:s14+$0x40];
	_ =	sdelay $0x2  }
0x37: {  	p2 =	sne.s32 s13, $0xF800  }
.Ltmp1:
0x38: {  	_ = 	snop;
	(pc) =	sbr.rel @p2 .LBB2_4-.Ltmp1, $2  }
0x39: {  	_ =	sdelay $0x2  }
0x3a: {  	s13 =	sadd.s32 $0x200, s13;
	[tilespmem:v7+s7+$0x0] =	vst.idx.add.f32.msk $0xffff, v6  }
0x3b: {  	[spmem:s1] =	stream.indirect.scatter.add.f32 [tilespmem:s7], [sflag:$0x1], $0x80, s9, s8, $0xb8;
	[tilespmem:$0x6B00] =	vst v63  }
0x3c: {  	_ =	swait.ge [sflag:s6], $0x2800  }
0x3d: {  	s12 =	sadd.s32 $0x1, s12;
	[sflag:s6] =	ssyncset.done $0x0  }
0x3e: {  	p2 =	sne.s32 s12, s5;
	[sflag:s6] =	ssyncadd.s32 $0xFFFFD800  }
.Ltmp2:
0x3f: {  	s13 =	simm.s32 @!p1 $0x1;
	[bflag:$0x0] =	sbarrier.arrive $0xFFFF;
	(pc) =	sbr.rel @p2 .LBB2_1-.Ltmp2, $4  }
0x40: {  	[hbm:s4], [sflag:s10] =	dma.local @!p1 [spmem:s11], $0x80  }
0x41: {  	_ =	swait.ge @!p1 [sflag:s13], $0x80  }
0x42: {  	[sflag:s13] =	ssyncset.done @!p1 $0x0  }
0x43: {  	[sflag:s13] =	ssyncadd.s32 @!p1 $0xFFFFFF80  }
0x44: {  	_ =	sfence.sel $0x180000  }
0x45: {  	[bflag:$0x0] =	sbarrier.arrive $0xFFFF  }
0x46: {  	_ =	strace $0x90000047  }
0x47: {  	s0 =	sadd.s32 @!p0 $0x100000, s0;
	[bflag:$0x2] =	sbarrier.arrive $0xFFFF  }
0x48: {  	[sflag:s0] =	ssyncadd.tile.s32 @!p0 $0x1;
	_ =	shalt  }
.Lfunc_end2:
_tile_overlayer_lowered:
.L_overlay_start_2:
0x49: {  	(tag) =	ssettag $0x2  }
0x4a: {  	s0 =	rddreg [dreg:$0x0];
	s2 =	stileid.u32  }
0x4b: {  	s1 =	rddreg [dreg:$0x1];
	p0 =	sne.s32 s2, $0x0  }
0x4c: {  	s3 =	rddreg [dreg:$0x2];
	[bflag:$0x3] =	sbarrier.arrive $0xFFFF;
	s2 =	simm.s32 @!p0 $0x1C01  }
0x4d: {  	[timem:s3], [sflag:s2] =	dma.local @!p0 [hbm:s0], s1  }
0x4e: {  	s0 =	simm.s32 @!p0 $0x1  }
0x4f: {  	_ =	swait.ge @!p0 [sflag:s0], s1  }
0x50: {  	s1 =	ssub.s32 @!p0 $0x0, s1;
	[sflag:s0] =	ssyncset.done @!p0 $0x0  }
0x51: {  	[sflag:s0] =	ssyncadd.s32 @!p0 s1  }
0x52: {  	[bflag:$0x3] =	sbarrier.arrive $0xFFFF  }
0x53: {  	_ =	shalt  }

</sc_bundles>
